<compile_context>
chip_gen: v7x
topology: tpu7x:2x2x1
jax: 0.10.2.dev20260603
libtpu: 0.0.44.dev20260713+nightly
codegen_flags: <defaults>
</compile_context>

<pallas_src>
import functools

import jax
import jax.numpy as jnp
from jax import lax
from jax.experimental import pallas as pl
from jax.experimental.pallas import tpu as pltpu
from jax.experimental.pallas import tpu_sc as plsc

VOCAB = 1_000_000
D_MODEL = 64
SEQ = 50
SEQP = 56

NC = 2
NS = 16
NW = NC * NS

IPC = 1
CR = IPC * SEQP
GH = 4
NBUF = 2 * GH
IB = 128


def _sc_gather(idx_pad, table_pad, n_rows):
    ipw = n_rows // NW
    nch = ipw // IPC
    ng = nch // GH
    ch_per_blk = IB // IPC
    grp_per_blk = ch_per_blk // GH
    mesh = plsc.VectorSubcoreMesh(core_axis_name="c", subcore_axis_name="s")

    @functools.partial(
        pl.kernel,
        out_type=jax.ShapeDtypeStruct((n_rows * SEQP, 128), jnp.float32),
        mesh=mesh,
        scratch_types=[
            pltpu.VMEM((2, IB, 128), jnp.int32),
            pltpu.VMEM((NBUF, CR, 128), jnp.float32),
        ]
        + [pltpu.SemaphoreType.DMA] * (2 * NBUF),
        compiler_params=pltpu.CompilerParams(use_tc_tiling_on_sc=False),
    )
    def k(idx_hbm, table_hbm, out_hbm, idx_raw, rows_v, *sems):
        gsems, osems = sems[:NBUF], sems[NBUF:]
        wid = lax.axis_index("s") * NC + lax.axis_index("c")
        base = wid * ipw

        def stage_idx(row0, bp):
            off = pl.multiple_of(base + row0, 8)
            pltpu.sync_copy(idx_hbm.at[pl.ds(off, IB), :], idx_raw.at[bp])

        def gath(cl, b):
            clb = lax.rem(cl, ch_per_blk)
            bp = lax.rem(cl // ch_per_blk, 2)
            return pltpu.make_async_copy(
                table_hbm.at[idx_raw.at[bp, clb, pl.ds(0, SEQP)]],
                rows_v.at[b], gsems[b])

        def stor(cl, b):
            off = pl.multiple_of((base + cl * IPC) * SEQP, 8)
            return pltpu.make_async_copy(
                rows_v.at[b], out_hbm.at[pl.ds(off, CR)], osems[b])

        stage_idx(0, 0)
        for j in range(GH):
            gath(j, j).start()

        def super_body(si, _):
            for p in range(2):
                gi = 2 * si + p
                @pl.when(jnp.logical_and(lax.rem(gi + 1, grp_per_blk) == 0,
                                         gi + 1 < ng))
                def _():
                    nxt = (gi + 1) * GH * IPC
                    stage_idx(nxt, lax.rem(nxt // IB, 2))

                for j in range(GH):
                    b = (1 - p) * GH + j

                    @pl.when(gi >= 1)
                    def _():
                        stor((gi - 1) * GH + j, b).wait()

                    @pl.when(gi + 1 < ng)
                    def _():
                        gath((gi + 1) * GH + j, b).start()

                for j in range(GH):
                    b = p * GH + j
                    gath(gi * GH + j, b).wait()
                    stor(gi * GH + j, b).start()
            return ()

        lax.fori_loop(0, ng // 2, super_body, (), unroll=False)

        for j in range(GH):
            b = ((ng - 1) % 2) * GH + j
            stor((ng - 1) * GH + j, b).wait()

    return k(idx_pad, table_pad)


def kernel(token_ids, embedding_matrix):
    n, s = token_ids.shape
    fill = jnp.remainder(
        jnp.arange(n, dtype=jnp.int32)[:, None] * 131
        + jnp.arange(128 - s, dtype=jnp.int32)[None, :] * 7919,
        VOCAB)
    idx_pad = jnp.concatenate([token_ids.astype(jnp.int32), fill], axis=1)
    table_pad = jnp.pad(embedding_matrix, ((0, 0), (0, 128 - D_MODEL)))
    out2 = _sc_gather(idx_pad, table_pad, n)
    return out2.reshape(n, SEQP, 128)[:, :SEQ, :D_MODEL]

# --- scband reference (transcript-rebuilt; emitter-appended) ---
"""Pipeline reference for scband-embedding-65120294142179 (READ-ONLY COPY).

The authoritative reference and input builder live on the scoring server;
editing this copy changes nothing except your own understanding.
"""

import jax, jax.numpy as jnp
import numpy as np
import math

VOCAB = 1000000
D_MODEL = 64


def setup_inputs(seed: int = 0) -> dict:
    key = jax.random.key(seed)
    k_idx, k_emb = jax.random.split(key)
    token_ids = jax.random.randint(k_idx, (16384, 50), 0, VOCAB, dtype=jnp.int64 if jax.config.jax_enable_x64 else jnp.int32)
    std = 1.0 / math.sqrt(D_MODEL)
    emb = jax.random.truncated_normal(k_emb, -2.0, 2.0, (VOCAB, D_MODEL), dtype=jnp.float32) * std
    return {"token_ids": token_ids, "embedding_matrix": emb}


def reference(token_ids, embedding_matrix):
    # Faithful translation of: return self.embedding_matrix[token_ids]
    return jnp.take(embedding_matrix, token_ids, axis=0)

if __name__ == "__main__":
    import jax
    _d = setup_inputs()
    print(jax.jit(kernel)(*tuple(_d.values())))

</pallas_src>

<mosaic_0001>
#map = affine_map<(d0, d1) -> (0, 0)>
module attributes {stable_mosaic.version = 14 : i64} {
  func.func @k(%arg0: i32, %arg1: i32, %arg2: memref<16384x128xi32, #tpu.memory_space<hbm>>, %arg3: memref<1000000x128xf32, #tpu.memory_space<hbm>>, %arg4: memref<917504x128xf32, #tpu.memory_space<hbm>>, %arg5: memref<2x128x128xi32, #tpu.memory_space<vmem>>, %arg6: memref<8x56x128xf32, #tpu.memory_space<vmem>>, %arg7: memref<!tpu.dma_semaphore, #tpu.memory_space<semaphore_mem>>, %arg8: memref<!tpu.dma_semaphore, #tpu.memory_space<semaphore_mem>>, %arg9: memref<!tpu.dma_semaphore, #tpu.memory_space<semaphore_mem>>, %arg10: memref<!tpu.dma_semaphore, #tpu.memory_space<semaphore_mem>>, %arg11: memref<!tpu.dma_semaphore, #tpu.memory_space<semaphore_mem>>, %arg12: memref<!tpu.dma_semaphore, #tpu.memory_space<semaphore_mem>>, %arg13: memref<!tpu.dma_semaphore, #tpu.memory_space<semaphore_mem>>, %arg14: memref<!tpu.dma_semaphore, #tpu.memory_space<semaphore_mem>>, %arg15: memref<!tpu.dma_semaphore, #tpu.memory_space<semaphore_mem>>, %arg16: memref<!tpu.dma_semaphore, #tpu.memory_space<semaphore_mem>>, %arg17: memref<!tpu.dma_semaphore, #tpu.memory_space<semaphore_mem>>, %arg18: memref<!tpu.dma_semaphore, #tpu.memory_space<semaphore_mem>>, %arg19: memref<!tpu.dma_semaphore, #tpu.memory_space<semaphore_mem>>, %arg20: memref<!tpu.dma_semaphore, #tpu.memory_space<semaphore_mem>>, %arg21: memref<!tpu.dma_semaphore, #tpu.memory_space<semaphore_mem>>, %arg22: memref<!tpu.dma_semaphore, #tpu.memory_space<semaphore_mem>>) attributes {dimension_semantics = [#tpu.dimension_semantics<core_parallel>, #tpu.dimension_semantics<subcore_parallel>], iteration_bounds = array<i64: 2, 16>, scalar_prefetch = 0 : i64, scratch_operands = 18 : i64, tpu.core_type = #tpu.core_type<sc_vector_subcore>, window_params = [{transform_indices = #map}, {transform_indices = #map}, {transform_indices = #map}]} {
    %mul3A = arith.constant 2 : i32
    %mul3A_0 = arith.muli %arg1, %mul3A : i32
    %add3A = arith.addi %mul3A_0, %arg0 : i32
    %mul3A_1 = arith.constant 512 : i32
    %mul3A_2 = arith.muli %add3A, %mul3A_1 : i32
    %add3A_3 = arith.constant 0 : i32
    %add3A_4 = arith.addi %mul3A_2, %add3A_3 : i32
    %multiple_of3A = tpu.assume_multiple %add3A_4, 8 : i32
    %run_scoped3A = arith.constant 0 : i32
    "tpu.region"() ({
      %run_scoped3A_146 = tpu.sem_alloc : memref<!tpu.dma_semaphore, #tpu.memory_space<semaphore_mem>>
      %dma_start3A_147 = arith.constant 0 : i32
      %dma_start3A_148 = arith.constant 0 : i32
      %dma_start3A_149 = tpu.memref_slice %arg5[%run_scoped3A, %dma_start3A_147, %dma_start3A_148] : memref<2x128x128xi32, #tpu.memory_space<vmem>> -> memref<1x128x128xi32, #tpu.memory_space<vmem>>
      %dma_start3A_150 = tpu.memref_squeeze %dma_start3A_149 : memref<1x128x128xi32, #tpu.memory_space<vmem>> -> memref<128x128xi32, #tpu.memory_space<vmem>>
      %dma_start3A_151 = arith.constant 0 : i32
      %dma_start3A_152 = tpu.memref_slice %arg2[%multiple_of3A, %dma_start3A_151] : memref<16384x128xi32, #tpu.memory_space<hbm>> -> memref<128x128xi32, #tpu.memory_space<hbm>>
      %dma_start3A_153 = arith.constant 0 : i32
      %dma_start3A_154 = arith.constant 0 : i32
      %dma_start3A_155 = tpu.memref_slice %arg5[%run_scoped3A, %dma_start3A_153, %dma_start3A_154] : memref<2x128x128xi32, #tpu.memory_space<vmem>> -> memref<1x128x128xi32, #tpu.memory_space<vmem>>
      %dma_start3A_156 = tpu.memref_squeeze %dma_start3A_155 : memref<1x128x128xi32, #tpu.memory_space<vmem>> -> memref<128x128xi32, #tpu.memory_space<vmem>>
      %dma_start3A_157 = arith.constant 0 : i32
      %dma_start3A_158 = tpu.memref_slice %arg2[%multiple_of3A, %dma_start3A_157] : memref<16384x128xi32, #tpu.memory_space<hbm>> -> memref<128x128xi32, #tpu.memory_space<hbm>>
      tpu.enqueue_dma source(%dma_start3A_158 : memref<128x128xi32, #tpu.memory_space<hbm>>) target(%dma_start3A_156 : memref<128x128xi32, #tpu.memory_space<vmem>>) target_semaphore(%run_scoped3A_146 : memref<!tpu.dma_semaphore, #tpu.memory_space<semaphore_mem>>)
      %dma_wait3A_159 = arith.constant 0 : i32
      %dma_wait3A_160 = arith.constant 0 : i32
      %dma_wait3A_161 = tpu.memref_slice %arg5[%run_scoped3A, %dma_wait3A_159, %dma_wait3A_160] : memref<2x128x128xi32, #tpu.memory_space<vmem>> -> memref<1x128x128xi32, #tpu.memory_space<vmem>>
      %dma_wait3A_162 = tpu.memref_squeeze %dma_wait3A_161 : memref<1x128x128xi32, #tpu.memory_space<vmem>> -> memref<128x128xi32, #tpu.memory_space<vmem>>
      %dma_wait3A_163 = arith.constant 0 : i32
      %dma_wait3A_164 = tpu.memref_slice %arg2[%multiple_of3A, %dma_wait3A_163] : memref<16384x128xi32, #tpu.memory_space<hbm>> -> memref<128x128xi32, #tpu.memory_space<hbm>>
      %dma_wait3A_165 = arith.constant 0 : i32
      %dma_wait3A_166 = arith.constant 0 : i32
      %dma_wait3A_167 = tpu.memref_slice %arg5[%run_scoped3A, %dma_wait3A_165, %dma_wait3A_166] : memref<2x128x128xi32, #tpu.memory_space<vmem>> -> memref<1x128x128xi32, #tpu.memory_space<vmem>>
      %dma_wait3A_168 = tpu.memref_squeeze %dma_wait3A_167 : memref<1x128x128xi32, #tpu.memory_space<vmem>> -> memref<128x128xi32, #tpu.memory_space<vmem>>
      %dma_wait3A_169 = arith.constant 0 : i32
      %dma_wait3A_170 = tpu.memref_slice %arg2[%multiple_of3A, %dma_wait3A_169] : memref<16384x128xi32, #tpu.memory_space<hbm>> -> memref<128x128xi32, #tpu.memory_space<hbm>>
      tpu.wait_dma2 semaphore(%run_scoped3A_146 : memref<!tpu.dma_semaphore, #tpu.memory_space<semaphore_mem>>) src(%dma_wait3A_170 : memref<128x128xi32, #tpu.memory_space<hbm>>) dst(%dma_wait3A_168 : memref<128x128xi32, #tpu.memory_space<vmem>>)
      tpu.yield
    }) : () -> ()
    %rem3A = arith.constant 0 : i32
    %rem3A_5 = arith.constant 128 : i32
    %rem3A_6 = arith.remsi %rem3A, %rem3A_5 : i32
    %rem3A_7 = arith.constant 0 : i32
    %rem3A_8 = arith.constant 2 : i32
    %rem3A_9 = arith.remsi %rem3A_7, %rem3A_8 : i32
    %dma_start3A = arith.constant 0 : i32
    %dma_start3A_10 = arith.constant 0 : i32
    %dma_start3A_11 = arith.constant 0 : i32
    %dma_start3A_12 = tpu.memref_slice %arg6[%dma_start3A, %dma_start3A_10, %dma_start3A_11] : memref<8x56x128xf32, #tpu.memory_space<vmem>> -> memref<1x56x128xf32, #tpu.memory_space<vmem>>
    %dma_start3A_13 = tpu.memref_squeeze %dma_start3A_12 : memref<1x56x128xf32, #tpu.memory_space<vmem>> -> memref<56x128xf32, #tpu.memory_space<vmem>>
    %dma_start3A_14 = arith.constant 0 : i32
    %dma_start3A_15 = tpu.memref_slice %arg5[%rem3A_9, %rem3A_6, %dma_start3A_14] : memref<2x128x128xi32, #tpu.memory_space<vmem>> -> memref<1x1x56xi32, #tpu.memory_space<vmem>>
    %dma_start3A_16 = tpu.memref_squeeze %dma_start3A_15 : memref<1x1x56xi32, #tpu.memory_space<vmem>> -> memref<56xi32, #tpu.memory_space<vmem>>
    %dma_start3A_17 = arith.constant 0 : i32
    %dma_start3A_18 = arith.constant 0 : i32
    %dma_start3A_19 = tpu.memref_slice %arg3[%dma_start3A_17, %dma_start3A_18] : memref<1000000x128xf32, #tpu.memory_space<hbm>> -> memref<1000000x128xf32, #tpu.memory_space<hbm>>
    tpu.enqueue_indirect_dma source(%dma_start3A_19 : memref<1000000x128xf32, #tpu.memory_space<hbm>>) target(%dma_start3A_13 : memref<56x128xf32, #tpu.memory_space<vmem>>) offsets(%dma_start3A_16 : memref<56xi32, #tpu.memory_space<vmem>>) semaphore(%arg7 : memref<!tpu.dma_semaphore, #tpu.memory_space<semaphore_mem>>)
    %rem3A_20 = arith.constant 1 : i32
    %rem3A_21 = arith.constant 128 : i32
    %rem3A_22 = arith.remsi %rem3A_20, %rem3A_21 : i32
    %rem3A_23 = arith.constant 0 : i32
    %rem3A_24 = arith.constant 2 : i32
    %rem3A_25 = arith.remsi %rem3A_23, %rem3A_24 : i32
    %dma_start3A_26 = arith.constant 1 : i32
    %dma_start3A_27 = arith.constant 0 : i32
    %dma_start3A_28 = arith.constant 0 : i32
    %dma_start3A_29 = tpu.memref_slice %arg6[%dma_start3A_26, %dma_start3A_27, %dma_start3A_28] : memref<8x56x128xf32, #tpu.memory_space<vmem>> -> memref<1x56x128xf32, #tpu.memory_space<vmem>>
    %dma_start3A_30 = tpu.memref_squeeze %dma_start3A_29 : memref<1x56x128xf32, #tpu.memory_space<vmem>> -> memref<56x128xf32, #tpu.memory_space<vmem>>
    %dma_start3A_31 = arith.constant 0 : i32
    %dma_start3A_32 = tpu.memref_slice %arg5[%rem3A_25, %rem3A_22, %dma_start3A_31] : memref<2x128x128xi32, #tpu.memory_space<vmem>> -> memref<1x1x56xi32, #tpu.memory_space<vmem>>
    %dma_start3A_33 = tpu.memref_squeeze %dma_start3A_32 : memref<1x1x56xi32, #tpu.memory_space<vmem>> -> memref<56xi32, #tpu.memory_space<vmem>>
    %dma_start3A_34 = arith.constant 0 : i32
    %dma_start3A_35 = arith.constant 0 : i32
    %dma_start3A_36 = tpu.memref_slice %arg3[%dma_start3A_34, %dma_start3A_35] : memref<1000000x128xf32, #tpu.memory_space<hbm>> -> memref<1000000x128xf32, #tpu.memory_space<hbm>>
    tpu.enqueue_indirect_dma source(%dma_start3A_36 : memref<1000000x128xf32, #tpu.memory_space<hbm>>) target(%dma_start3A_30 : memref<56x128xf32, #tpu.memory_space<vmem>>) offsets(%dma_start3A_33 : memref<56xi32, #tpu.memory_space<vmem>>) semaphore(%arg8 : memref<!tpu.dma_semaphore, #tpu.memory_space<semaphore_mem>>)
    %rem3A_37 = arith.constant 2 : i32
    %rem3A_38 = arith.constant 128 : i32
    %rem3A_39 = arith.remsi %rem3A_37, %rem3A_38 : i32
    %rem3A_40 = arith.constant 0 : i32
    %rem3A_41 = arith.constant 2 : i32
    %rem3A_42 = arith.remsi %rem3A_40, %rem3A_41 : i32
    %dma_start3A_43 = arith.constant 2 : i32
    %dma_start3A_44 = arith.constant 0 : i32
    %dma_start3A_45 = arith.constant 0 : i32
    %dma_start3A_46 = tpu.memref_slice %arg6[%dma_start3A_43, %dma_start3A_44, %dma_start3A_45] : memref<8x56x128xf32, #tpu.memory_space<vmem>> -> memref<1x56x128xf32, #tpu.memory_space<vmem>>
    %dma_start3A_47 = tpu.memref_squeeze %dma_start3A_46 : memref<1x56x128xf32, #tpu.memory_space<vmem>> -> memref<56x128xf32, #tpu.memory_space<vmem>>
    %dma_start3A_48 = arith.constant 0 : i32
    %dma_start3A_49 = tpu.memref_slice %arg5[%rem3A_42, %rem3A_39, %dma_start3A_48] : memref<2x128x128xi32, #tpu.memory_space<vmem>> -> memref<1x1x56xi32, #tpu.memory_space<vmem>>
    %dma_start3A_50 = tpu.memref_squeeze %dma_start3A_49 : memref<1x1x56xi32, #tpu.memory_space<vmem>> -> memref<56xi32, #tpu.memory_space<vmem>>
    %dma_start3A_51 = arith.constant 0 : i32
    %dma_start3A_52 = arith.constant 0 : i32
    %dma_start3A_53 = tpu.memref_slice %arg3[%dma_start3A_51, %dma_start3A_52] : memref<1000000x128xf32, #tpu.memory_space<hbm>> -> memref<1000000x128xf32, #tpu.memory_space<hbm>>
    tpu.enqueue_indirect_dma source(%dma_start3A_53 : memref<1000000x128xf32, #tpu.memory_space<hbm>>) target(%dma_start3A_47 : memref<56x128xf32, #tpu.memory_space<vmem>>) offsets(%dma_start3A_50 : memref<56xi32, #tpu.memory_space<vmem>>) semaphore(%arg9 : memref<!tpu.dma_semaphore, #tpu.memory_space<semaphore_mem>>)
    %rem3A_54 = arith.constant 3 : i32
    %rem3A_55 = arith.constant 128 : i32
    %rem3A_56 = arith.remsi %rem3A_54, %rem3A_55 : i32
    %rem3A_57 = arith.constant 0 : i32
    %rem3A_58 = arith.constant 2 : i32
    %rem3A_59 = arith.remsi %rem3A_57, %rem3A_58 : i32
    %dma_start3A_60 = arith.constant 3 : i32
    %dma_start3A_61 = arith.constant 0 : i32
    %dma_start3A_62 = arith.constant 0 : i32
    %dma_start3A_63 = tpu.memref_slice %arg6[%dma_start3A_60, %dma_start3A_61, %dma_start3A_62] : memref<8x56x128xf32, #tpu.memory_space<vmem>> -> memref<1x56x128xf32, #tpu.memory_space<vmem>>
    %dma_start3A_64 = tpu.memref_squeeze %dma_start3A_63 : memref<1x56x128xf32, #tpu.memory_space<vmem>> -> memref<56x128xf32, #tpu.memory_space<vmem>>
    %dma_start3A_65 = arith.constant 0 : i32
    %dma_start3A_66 = tpu.memref_slice %arg5[%rem3A_59, %rem3A_56, %dma_start3A_65] : memref<2x128x128xi32, #tpu.memory_space<vmem>> -> memref<1x1x56xi32, #tpu.memory_space<vmem>>
    %dma_start3A_67 = tpu.memref_squeeze %dma_start3A_66 : memref<1x1x56xi32, #tpu.memory_space<vmem>> -> memref<56xi32, #tpu.memory_space<vmem>>
    %dma_start3A_68 = arith.constant 0 : i32
    %dma_start3A_69 = arith.constant 0 : i32
    %dma_start3A_70 = tpu.memref_slice %arg3[%dma_start3A_68, %dma_start3A_69] : memref<1000000x128xf32, #tpu.memory_space<hbm>> -> memref<1000000x128xf32, #tpu.memory_space<hbm>>
    tpu.enqueue_indirect_dma source(%dma_start3A_70 : memref<1000000x128xf32, #tpu.memory_space<hbm>>) target(%dma_start3A_64 : memref<56x128xf32, #tpu.memory_space<vmem>>) offsets(%dma_start3A_67 : memref<56xi32, #tpu.memory_space<vmem>>) semaphore(%arg10 : memref<!tpu.dma_semaphore, #tpu.memory_space<semaphore_mem>>)
    %scan3A = arith.constant 0 : i32
    %scan3A_71 = arith.constant 64 : i32
    %scan3A_72 = arith.addi %scan3A, %scan3A_71 : i32
    %scan3A_73 = arith.constant 1 : i32
    scf.for %scan3A_146 = %scan3A to %scan3A_72 step %scan3A_73  : i32 {
      %mul3A_147 = arith.constant 2 : i32
      %mul3A_148 = arith.muli %mul3A_147, %scan3A_146 : i32
      %add3A_149 = arith.constant 0 : i32
      %add3A_150 = arith.addi %mul3A_148, %add3A_149 : i32
      %add3A_151 = arith.constant 1 : i32
      %add3A_152 = arith.addi %add3A_150, %add3A_151 : i32
      %rem3A_153 = arith.constant 32 : i32
      %rem3A_154 = arith.remsi %add3A_152, %rem3A_153 : i32
      %eq3A = arith.constant 0 : i32
      %eq3A_155 = arith.cmpi eq, %rem3A_154, %eq3A : i32
      %add3A_156 = arith.constant 1 : i32
      %add3A_157 = arith.addi %add3A_150, %add3A_156 : i32
      %lt3A = arith.constant 128 : i32
      %lt3A_158 = arith.cmpi slt, %add3A_157, %lt3A : i32
      %and3A = arith.andi %eq3A_155, %lt3A_158 : i1
      %convert_element_type3A = arith.extui %and3A : i1 to i32
      %cond3A = arith.constant 0 : i32
      %cond3A_159 = arith.cmpi ne, %convert_element_type3A, %cond3A : i32
      scf.if %cond3A_159 {
        %add3A_795 = arith.constant 1 : i32
        %add3A_796 = arith.addi %add3A_150, %add3A_795 : i32
        %mul3A_797 = arith.constant 4 : i32
        %mul3A_798 = arith.muli %add3A_796, %mul3A_797 : i32
        %mul3A_799 = arith.constant 1 : i32
        %mul3A_800 = arith.muli %mul3A_798, %mul3A_799 : i32
        %jit3A_801 = arith.constant 128 : i32
        %div3A_802 = arith.divsi %mul3A_800, %jit3A_801 : i32
        %sign3A_803 = arith.constant 0 : i32
        %sign3A_804 = arith.cmpi sgt, %mul3A_800, %sign3A_803 : i32
        %sign3A_805 = arith.extui %sign3A_804 : i1 to i32
        %sign3A_806 = arith.constant 0 : i32
        %sign3A_807 = arith.cmpi slt, %mul3A_800, %sign3A_806 : i32
        %sign3A_808 = arith.extui %sign3A_807 : i1 to i32
        %sign3A_809 = arith.subi %sign3A_805, %sign3A_808 : i32
        %sign3A_810 = arith.constant 0 : i32
        %sign3A_811 = arith.cmpi sgt, %jit3A_801, %sign3A_810 : i32
        %sign3A_812 = arith.extui %sign3A_811 : i1 to i32
        %sign3A_813 = arith.constant 0 : i32
        %sign3A_814 = arith.cmpi slt, %jit3A_801, %sign3A_813 : i32
        %sign3A_815 = arith.extui %sign3A_814 : i1 to i32
        %sign3A_816 = arith.subi %sign3A_812, %sign3A_815 : i32
        %ne3A_817 = arith.cmpi ne, %sign3A_809, %sign3A_816 : i32
        %rem3A_818 = arith.remsi %mul3A_800, %jit3A_801 : i32
        %ne3A_819 = arith.constant 0 : i32
        %ne3A_820 = arith.cmpi ne, %rem3A_818, %ne3A_819 : i32
        %and3A_821 = arith.andi %ne3A_817, %ne3A_820 : i1
        %sub3A_822 = arith.constant 1 : i32
        %sub3A_823 = arith.subi %div3A_802, %sub3A_822 : i32
        %select_n3A_824 = arith.select %and3A_821, %sub3A_823, %div3A_802 : i32
        %rem3A_825 = arith.constant 2 : i32
        %rem3A_826 = arith.remsi %select_n3A_824, %rem3A_825 : i32
        %add3A_827 = arith.addi %mul3A_2, %mul3A_800 : i32
        %multiple_of3A_828 = tpu.assume_multiple %add3A_827, 8 : i32
        "tpu.region"() ({
          %run_scoped3A_829 = tpu.sem_alloc : memref<!tpu.dma_semaphore, #tpu.memory_space<semaphore_mem>>
          %dma_start3A_830 = arith.constant 0 : i32
          %dma_start3A_831 = arith.constant 0 : i32
          %dma_start3A_832 = tpu.memref_slice %arg5[%rem3A_826, %dma_start3A_830, %dma_start3A_831] : memref<2x128x128xi32, #tpu.memory_space<vmem>> -> memref<1x128x128xi32, #tpu.memory_space<vmem>>
          %dma_start3A_833 = tpu.memref_squeeze %dma_start3A_832 : memref<1x128x128xi32, #tpu.memory_space<vmem>> -> memref<128x128xi32, #tpu.memory_space<vmem>>
          %dma_start3A_834 = arith.constant 0 : i32
          %dma_start3A_835 = tpu.memref_slice %arg2[%multiple_of3A_828, %dma_start3A_834] : memref<16384x128xi32, #tpu.memory_space<hbm>> -> memref<128x128xi32, #tpu.memory_space<hbm>>
          %dma_start3A_836 = arith.constant 0 : i32
          %dma_start3A_837 = arith.constant 0 : i32
          %dma_start3A_838 = tpu.memref_slice %arg5[%rem3A_826, %dma_start3A_836, %dma_start3A_837] : memref<2x128x128xi32, #tpu.memory_space<vmem>> -> memref<1x128x128xi32, #tpu.memory_space<vmem>>
          %dma_start3A_839 = tpu.memref_squeeze %dma_start3A_838 : memref<1x128x128xi32, #tpu.memory_space<vmem>> -> memref<128x128xi32, #tpu.memory_space<vmem>>
          %dma_start3A_840 = arith.constant 0 : i32
          %dma_start3A_841 = tpu.memref_slice %arg2[%multiple_of3A_828, %dma_start3A_840] : memref<16384x128xi32, #tpu.memory_space<hbm>> -> memref<128x128xi32, #tpu.memory_space<hbm>>
          tpu.enqueue_dma source(%dma_start3A_841 : memref<128x128xi32, #tpu.memory_space<hbm>>) target(%dma_start3A_839 : memref<128x128xi32, #tpu.memory_space<vmem>>) target_semaphore(%run_scoped3A_829 : memref<!tpu.dma_semaphore, #tpu.memory_space<semaphore_mem>>)
          %dma_wait3A_842 = arith.constant 0 : i32
          %dma_wait3A_843 = arith.constant 0 : i32
          %dma_wait3A_844 = tpu.memref_slice %arg5[%rem3A_826, %dma_wait3A_842, %dma_wait3A_843] : memref<2x128x128xi32, #tpu.memory_space<vmem>> -> memref<1x128x128xi32, #tpu.memory_space<vmem>>
          %dma_wait3A_845 = tpu.memref_squeeze %dma_wait3A_844 : memref<1x128x128xi32, #tpu.memory_space<vmem>> -> memref<128x128xi32, #tpu.memory_space<vmem>>
          %dma_wait3A_846 = arith.constant 0 : i32
          %dma_wait3A_847 = tpu.memref_slice %arg2[%multiple_of3A_828, %dma_wait3A_846] : memref<16384x128xi32, #tpu.memory_space<hbm>> -> memref<128x128xi32, #tpu.memory_space<hbm>>
          %dma_wait3A_848 = arith.constant 0 : i32
          %dma_wait3A_849 = arith.constant 0 : i32
          %dma_wait3A_850 = tpu.memref_slice %arg5[%rem3A_826, %dma_wait3A_848, %dma_wait3A_849] : memref<2x128x128xi32, #tpu.memory_space<vmem>> -> memref<1x128x128xi32, #tpu.memory_space<vmem>>
          %dma_wait3A_851 = tpu.memref_squeeze %dma_wait3A_850 : memref<1x128x128xi32, #tpu.memory_space<vmem>> -> memref<128x128xi32, #tpu.memory_space<vmem>>
          %dma_wait3A_852 = arith.constant 0 : i32
          %dma_wait3A_853 = tpu.memref_slice %arg2[%multiple_of3A_828, %dma_wait3A_852] : memref<16384x128xi32, #tpu.memory_space<hbm>> -> memref<128x128xi32, #tpu.memory_space<hbm>>
          tpu.wait_dma2 semaphore(%run_scoped3A_829 : memref<!tpu.dma_semaphore, #tpu.memory_space<semaphore_mem>>) src(%dma_wait3A_853 : memref<128x128xi32, #tpu.memory_space<hbm>>) dst(%dma_wait3A_851 : memref<128x128xi32, #tpu.memory_space<vmem>>)
          tpu.yield
        }) : () -> ()
      } else {
      }
      %ge3A = arith.constant 1 : i32
      %ge3A_160 = arith.cmpi sge, %add3A_150, %ge3A : i32
      %convert_element_type3A_161 = arith.extui %ge3A_160 : i1 to i32
      %cond3A_162 = arith.constant 0 : i32
      %cond3A_163 = arith.cmpi ne, %convert_element_type3A_161, %cond3A_162 : i32
      scf.if %cond3A_163 {
        %sub3A_795 = arith.constant 1 : i32
        %sub3A_796 = arith.subi %add3A_150, %sub3A_795 : i32
        %mul3A_797 = arith.constant 4 : i32
        %mul3A_798 = arith.muli %sub3A_796, %mul3A_797 : i32
        %add3A_799 = arith.constant 0 : i32
        %add3A_800 = arith.addi %mul3A_798, %add3A_799 : i32
        %mul3A_801 = arith.constant 1 : i32
        %mul3A_802 = arith.muli %add3A_800, %mul3A_801 : i32
        %add3A_803 = arith.addi %mul3A_2, %mul3A_802 : i32
        %mul3A_804 = arith.constant 56 : i32
        %mul3A_805 = arith.muli %add3A_803, %mul3A_804 : i32
        %multiple_of3A_806 = tpu.assume_multiple %mul3A_805, 8 : i32
        %dma_wait3A_807 = arith.constant 4 : i32
        %dma_wait3A_808 = arith.constant 0 : i32
        %dma_wait3A_809 = arith.constant 0 : i32
        %dma_wait3A_810 = tpu.memref_slice %arg6[%dma_wait3A_807, %dma_wait3A_808, %dma_wait3A_809] : memref<8x56x128xf32, #tpu.memory_space<vmem>> -> memref<1x56x128xf32, #tpu.memory_space<vmem>>
        %dma_wait3A_811 = tpu.memref_squeeze %dma_wait3A_810 : memref<1x56x128xf32, #tpu.memory_space<vmem>> -> memref<56x128xf32, #tpu.memory_space<vmem>>
        %dma_wait3A_812 = arith.constant 0 : i32
        %dma_wait3A_813 = tpu.memref_slice %arg4[%multiple_of3A_806, %dma_wait3A_812] : memref<917504x128xf32, #tpu.memory_space<hbm>> -> memref<56x128xf32, #tpu.memory_space<hbm>>
        %dma_wait3A_814 = arith.constant 0 : i32
        %dma_wait3A_815 = tpu.memref_slice %arg4[%multiple_of3A_806, %dma_wait3A_814] : memref<917504x128xf32, #tpu.memory_space<hbm>> -> memref<56x128xf32, #tpu.memory_space<hbm>>
        %dma_wait3A_816 = arith.constant 0 : i32
        %dma_wait3A_817 = arith.constant 0 : i32
        %dma_wait3A_818 = tpu.memref_slice %arg6[%dma_wait3A_807, %dma_wait3A_816, %dma_wait3A_817] : memref<8x56x128xf32, #tpu.memory_space<vmem>> -> memref<1x56x128xf32, #tpu.memory_space<vmem>>
        %dma_wait3A_819 = tpu.memref_squeeze %dma_wait3A_818 : memref<1x56x128xf32, #tpu.memory_space<vmem>> -> memref<56x128xf32, #tpu.memory_space<vmem>>
        tpu.wait_dma2 semaphore(%arg19 : memref<!tpu.dma_semaphore, #tpu.memory_space<semaphore_mem>>) src(%dma_wait3A_819 : memref<56x128xf32, #tpu.memory_space<vmem>>) dst(%dma_wait3A_815 : memref<56x128xf32, #tpu.memory_space<hbm>>)
      } else {
      }
      %add3A_164 = arith.constant 1 : i32
      %add3A_165 = arith.addi %add3A_150, %add3A_164 : i32
      %lt3A_166 = arith.constant 128 : i32
      %lt3A_167 = arith.cmpi slt, %add3A_165, %lt3A_166 : i32
      %convert_element_type3A_168 = arith.extui %lt3A_167 : i1 to i32
      %cond3A_169 = arith.constant 0 : i32
      %cond3A_170 = arith.cmpi ne, %convert_element_type3A_168, %cond3A_169 : i32
      scf.if %cond3A_170 {
        %add3A_795 = arith.constant 1 : i32
        %add3A_796 = arith.addi %add3A_150, %add3A_795 : i32
        %mul3A_797 = arith.constant 4 : i32
        %mul3A_798 = arith.muli %add3A_796, %mul3A_797 : i32
        %add3A_799 = arith.constant 0 : i32
        %add3A_800 = arith.addi %mul3A_798, %add3A_799 : i32
        %rem3A_801 = arith.constant 128 : i32
        %rem3A_802 = arith.remsi %add3A_800, %rem3A_801 : i32
        %jit3A_803 = arith.constant 128 : i32
        %div3A_804 = arith.divsi %add3A_800, %jit3A_803 : i32
        %sign3A_805 = arith.constant 0 : i32
        %sign3A_806 = arith.cmpi sgt, %add3A_800, %sign3A_805 : i32
        %sign3A_807 = arith.extui %sign3A_806 : i1 to i32
        %sign3A_808 = arith.constant 0 : i32
        %sign3A_809 = arith.cmpi slt, %add3A_800, %sign3A_808 : i32
        %sign3A_810 = arith.extui %sign3A_809 : i1 to i32
        %sign3A_811 = arith.subi %sign3A_807, %sign3A_810 : i32
        %sign3A_812 = arith.constant 0 : i32
        %sign3A_813 = arith.cmpi sgt, %jit3A_803, %sign3A_812 : i32
        %sign3A_814 = arith.extui %sign3A_813 : i1 to i32
        %sign3A_815 = arith.constant 0 : i32
        %sign3A_816 = arith.cmpi slt, %jit3A_803, %sign3A_815 : i32
        %sign3A_817 = arith.extui %sign3A_816 : i1 to i32
        %sign3A_818 = arith.subi %sign3A_814, %sign3A_817 : i32
        %ne3A_819 = arith.cmpi ne, %sign3A_811, %sign3A_818 : i32
        %rem3A_820 = arith.remsi %add3A_800, %jit3A_803 : i32
        %ne3A_821 = arith.constant 0 : i32
        %ne3A_822 = arith.cmpi ne, %rem3A_820, %ne3A_821 : i32
        %and3A_823 = arith.andi %ne3A_819, %ne3A_822 : i1
        %sub3A_824 = arith.constant 1 : i32
        %sub3A_825 = arith.subi %div3A_804, %sub3A_824 : i32
        %select_n3A_826 = arith.select %and3A_823, %sub3A_825, %div3A_804 : i32
        %rem3A_827 = arith.constant 2 : i32
        %rem3A_828 = arith.remsi %select_n3A_826, %rem3A_827 : i32
        %dma_start3A_829 = arith.constant 4 : i32
        %dma_start3A_830 = arith.constant 0 : i32
        %dma_start3A_831 = arith.constant 0 : i32
        %dma_start3A_832 = tpu.memref_slice %arg6[%dma_start3A_829, %dma_start3A_830, %dma_start3A_831] : memref<8x56x128xf32, #tpu.memory_space<vmem>> -> memref<1x56x128xf32, #tpu.memory_space<vmem>>
        %dma_start3A_833 = tpu.memref_squeeze %dma_start3A_832 : memref<1x56x128xf32, #tpu.memory_space<vmem>> -> memref<56x128xf32, #tpu.memory_space<vmem>>
        %dma_start3A_834 = arith.constant 0 : i32
        %dma_start3A_835 = tpu.memref_slice %arg5[%rem3A_828, %rem3A_802, %dma_start3A_834] : memref<2x128x128xi32, #tpu.memory_space<vmem>> -> memref<1x1x56xi32, #tpu.memory_space<vmem>>
        %dma_start3A_836 = tpu.memref_squeeze %dma_start3A_835 : memref<1x1x56xi32, #tpu.memory_space<vmem>> -> memref<56xi32, #tpu.memory_space<vmem>>
        %dma_start3A_837 = arith.constant 0 : i32
        %dma_start3A_838 = arith.constant 0 : i32
        %dma_start3A_839 = tpu.memref_slice %arg3[%dma_start3A_837, %dma_start3A_838] : memref<1000000x128xf32, #tpu.memory_space<hbm>> -> memref<1000000x128xf32, #tpu.memory_space<hbm>>
        tpu.enqueue_indirect_dma source(%dma_start3A_839 : memref<1000000x128xf32, #tpu.memory_space<hbm>>) target(%dma_start3A_833 : memref<56x128xf32, #tpu.memory_space<vmem>>) offsets(%dma_start3A_836 : memref<56xi32, #tpu.memory_space<vmem>>) semaphore(%arg11 : memref<!tpu.dma_semaphore, #tpu.memory_space<semaphore_mem>>)
      } else {
      }
      %ge3A_171 = arith.constant 1 : i32
      %ge3A_172 = arith.cmpi sge, %add3A_150, %ge3A_171 : i32
      %convert_element_type3A_173 = arith.extui %ge3A_172 : i1 to i32
      %cond3A_174 = arith.constant 0 : i32
      %cond3A_175 = arith.cmpi ne, %convert_element_type3A_173, %cond3A_174 : i32
      scf.if %cond3A_175 {
        %sub3A_795 = arith.constant 1 : i32
        %sub3A_796 = arith.subi %add3A_150, %sub3A_795 : i32
        %mul3A_797 = arith.constant 4 : i32
        %mul3A_798 = arith.muli %sub3A_796, %mul3A_797 : i32
        %add3A_799 = arith.constant 1 : i32
        %add3A_800 = arith.addi %mul3A_798, %add3A_799 : i32
        %mul3A_801 = arith.constant 1 : i32
        %mul3A_802 = arith.muli %add3A_800, %mul3A_801 : i32
        %add3A_803 = arith.addi %mul3A_2, %mul3A_802 : i32
        %mul3A_804 = arith.constant 56 : i32
        %mul3A_805 = arith.muli %add3A_803, %mul3A_804 : i32
        %multiple_of3A_806 = tpu.assume_multiple %mul3A_805, 8 : i32
        %dma_wait3A_807 = arith.constant 5 : i32
        %dma_wait3A_808 = arith.constant 0 : i32
        %dma_wait3A_809 = arith.constant 0 : i32
        %dma_wait3A_810 = tpu.memref_slice %arg6[%dma_wait3A_807, %dma_wait3A_808, %dma_wait3A_809] : memref<8x56x128xf32, #tpu.memory_space<vmem>> -> memref<1x56x128xf32, #tpu.memory_space<vmem>>
        %dma_wait3A_811 = tpu.memref_squeeze %dma_wait3A_810 : memref<1x56x128xf32, #tpu.memory_space<vmem>> -> memref<56x128xf32, #tpu.memory_space<vmem>>
        %dma_wait3A_812 = arith.constant 0 : i32
        %dma_wait3A_813 = tpu.memref_slice %arg4[%multiple_of3A_806, %dma_wait3A_812] : memref<917504x128xf32, #tpu.memory_space<hbm>> -> memref<56x128xf32, #tpu.memory_space<hbm>>
        %dma_wait3A_814 = arith.constant 0 : i32
        %dma_wait3A_815 = tpu.memref_slice %arg4[%multiple_of3A_806, %dma_wait3A_814] : memref<917504x128xf32, #tpu.memory_space<hbm>> -> memref<56x128xf32, #tpu.memory_space<hbm>>
        %dma_wait3A_816 = arith.constant 0 : i32
        %dma_wait3A_817 = arith.constant 0 : i32
        %dma_wait3A_818 = tpu.memref_slice %arg6[%dma_wait3A_807, %dma_wait3A_816, %dma_wait3A_817] : memref<8x56x128xf32, #tpu.memory_space<vmem>> -> memref<1x56x128xf32, #tpu.memory_space<vmem>>
        %dma_wait3A_819 = tpu.memref_squeeze %dma_wait3A_818 : memref<1x56x128xf32, #tpu.memory_space<vmem>> -> memref<56x128xf32, #tpu.memory_space<vmem>>
        tpu.wait_dma2 semaphore(%arg20 : memref<!tpu.dma_semaphore, #tpu.memory_space<semaphore_mem>>) src(%dma_wait3A_819 : memref<56x128xf32, #tpu.memory_space<vmem>>) dst(%dma_wait3A_815 : memref<56x128xf32, #tpu.memory_space<hbm>>)
      } else {
      }
      %add3A_176 = arith.constant 1 : i32
      %add3A_177 = arith.addi %add3A_150, %add3A_176 : i32
      %lt3A_178 = arith.constant 128 : i32
      %lt3A_179 = arith.cmpi slt, %add3A_177, %lt3A_178 : i32
      %convert_element_type3A_180 = arith.extui %lt3A_179 : i1 to i32
      %cond3A_181 = arith.constant 0 : i32
      %cond3A_182 = arith.cmpi ne, %convert_element_type3A_180, %cond3A_181 : i32
      scf.if %cond3A_182 {
        %add3A_795 = arith.constant 1 : i32
        %add3A_796 = arith.addi %add3A_150, %add3A_795 : i32
        %mul3A_797 = arith.constant 4 : i32
        %mul3A_798 = arith.muli %add3A_796, %mul3A_797 : i32
        %add3A_799 = arith.constant 1 : i32
        %add3A_800 = arith.addi %mul3A_798, %add3A_799 : i32
        %rem3A_801 = arith.constant 128 : i32
        %rem3A_802 = arith.remsi %add3A_800, %rem3A_801 : i32
        %jit3A_803 = arith.constant 128 : i32
        %div3A_804 = arith.divsi %add3A_800, %jit3A_803 : i32
        %sign3A_805 = arith.constant 0 : i32
        %sign3A_806 = arith.cmpi sgt, %add3A_800, %sign3A_805 : i32
        %sign3A_807 = arith.extui %sign3A_806 : i1 to i32
        %sign3A_808 = arith.constant 0 : i32
        %sign3A_809 = arith.cmpi slt, %add3A_800, %sign3A_808 : i32
        %sign3A_810 = arith.extui %sign3A_809 : i1 to i32
        %sign3A_811 = arith.subi %sign3A_807, %sign3A_810 : i32
        %sign3A_812 = arith.constant 0 : i32
        %sign3A_813 = arith.cmpi sgt, %jit3A_803, %sign3A_812 : i32
        %sign3A_814 = arith.extui %sign3A_813 : i1 to i32
        %sign3A_815 = arith.constant 0 : i32
        %sign3A_816 = arith.cmpi slt, %jit3A_803, %sign3A_815 : i32
        %sign3A_817 = arith.extui %sign3A_816 : i1 to i32
        %sign3A_818 = arith.subi %sign3A_814, %sign3A_817 : i32
        %ne3A_819 = arith.cmpi ne, %sign3A_811, %sign3A_818 : i32
        %rem3A_820 = arith.remsi %add3A_800, %jit3A_803 : i32
        %ne3A_821 = arith.constant 0 : i32
        %ne3A_822 = arith.cmpi ne, %rem3A_820, %ne3A_821 : i32
        %and3A_823 = arith.andi %ne3A_819, %ne3A_822 : i1
        %sub3A_824 = arith.constant 1 : i32
        %sub3A_825 = arith.subi %div3A_804, %sub3A_824 : i32
        %select_n3A_826 = arith.select %and3A_823, %sub3A_825, %div3A_804 : i32
        %rem3A_827 = arith.constant 2 : i32
        %rem3A_828 = arith.remsi %select_n3A_826, %rem3A_827 : i32
        %dma_start3A_829 = arith.constant 5 : i32
        %dma_start3A_830 = arith.constant 0 : i32
        %dma_start3A_831 = arith.constant 0 : i32
        %dma_start3A_832 = tpu.memref_slice %arg6[%dma_start3A_829, %dma_start3A_830, %dma_start3A_831] : memref<8x56x128xf32, #tpu.memory_space<vmem>> -> memref<1x56x128xf32, #tpu.memory_space<vmem>>
        %dma_start3A_833 = tpu.memref_squeeze %dma_start3A_832 : memref<1x56x128xf32, #tpu.memory_space<vmem>> -> memref<56x128xf32, #tpu.memory_space<vmem>>
        %dma_start3A_834 = arith.constant 0 : i32
        %dma_start3A_835 = tpu.memref_slice %arg5[%rem3A_828, %rem3A_802, %dma_start3A_834] : memref<2x128x128xi32, #tpu.memory_space<vmem>> -> memref<1x1x56xi32, #tpu.memory_space<vmem>>
        %dma_start3A_836 = tpu.memref_squeeze %dma_start3A_835 : memref<1x1x56xi32, #tpu.memory_space<vmem>> -> memref<56xi32, #tpu.memory_space<vmem>>
        %dma_start3A_837 = arith.constant 0 : i32
        %dma_start3A_838 = arith.constant 0 : i32
        %dma_start3A_839 = tpu.memref_slice %arg3[%dma_start3A_837, %dma_start3A_838] : memref<1000000x128xf32, #tpu.memory_space<hbm>> -> memref<1000000x128xf32, #tpu.memory_space<hbm>>
        tpu.enqueue_indirect_dma source(%dma_start3A_839 : memref<1000000x128xf32, #tpu.memory_space<hbm>>) target(%dma_start3A_833 : memref<56x128xf32, #tpu.memory_space<vmem>>) offsets(%dma_start3A_836 : memref<56xi32, #tpu.memory_space<vmem>>) semaphore(%arg12 : memref<!tpu.dma_semaphore, #tpu.memory_space<semaphore_mem>>)
      } else {
      }
      %ge3A_183 = arith.constant 1 : i32
      %ge3A_184 = arith.cmpi sge, %add3A_150, %ge3A_183 : i32
      %convert_element_type3A_185 = arith.extui %ge3A_184 : i1 to i32
      %cond3A_186 = arith.constant 0 : i32
      %cond3A_187 = arith.cmpi ne, %convert_element_type3A_185, %cond3A_186 : i32
      scf.if %cond3A_187 {
        %sub3A_795 = arith.constant 1 : i32
        %sub3A_796 = arith.subi %add3A_150, %sub3A_795 : i32
        %mul3A_797 = arith.constant 4 : i32
        %mul3A_798 = arith.muli %sub3A_796, %mul3A_797 : i32
        %add3A_799 = arith.constant 2 : i32
        %add3A_800 = arith.addi %mul3A_798, %add3A_799 : i32
        %mul3A_801 = arith.constant 1 : i32
        %mul3A_802 = arith.muli %add3A_800, %mul3A_801 : i32
        %add3A_803 = arith.addi %mul3A_2, %mul3A_802 : i32
        %mul3A_804 = arith.constant 56 : i32
        %mul3A_805 = arith.muli %add3A_803, %mul3A_804 : i32
        %multiple_of3A_806 = tpu.assume_multiple %mul3A_805, 8 : i32
        %dma_wait3A_807 = arith.constant 6 : i32
        %dma_wait3A_808 = arith.constant 0 : i32
        %dma_wait3A_809 = arith.constant 0 : i32
        %dma_wait3A_810 = tpu.memref_slice %arg6[%dma_wait3A_807, %dma_wait3A_808, %dma_wait3A_809] : memref<8x56x128xf32, #tpu.memory_space<vmem>> -> memref<1x56x128xf32, #tpu.memory_space<vmem>>
        %dma_wait3A_811 = tpu.memref_squeeze %dma_wait3A_810 : memref<1x56x128xf32, #tpu.memory_space<vmem>> -> memref<56x128xf32, #tpu.memory_space<vmem>>
        %dma_wait3A_812 = arith.constant 0 : i32
        %dma_wait3A_813 = tpu.memref_slice %arg4[%multiple_of3A_806, %dma_wait3A_812] : memref<917504x128xf32, #tpu.memory_space<hbm>> -> memref<56x128xf32, #tpu.memory_space<hbm>>
        %dma_wait3A_814 = arith.constant 0 : i32
        %dma_wait3A_815 = tpu.memref_slice %arg4[%multiple_of3A_806, %dma_wait3A_814] : memref<917504x128xf32, #tpu.memory_space<hbm>> -> memref<56x128xf32, #tpu.memory_space<hbm>>
        %dma_wait3A_816 = arith.constant 0 : i32
        %dma_wait3A_817 = arith.constant 0 : i32
        %dma_wait3A_818 = tpu.memref_slice %arg6[%dma_wait3A_807, %dma_wait3A_816, %dma_wait3A_817] : memref<8x56x128xf32, #tpu.memory_space<vmem>> -> memref<1x56x128xf32, #tpu.memory_space<vmem>>
        %dma_wait3A_819 = tpu.memref_squeeze %dma_wait3A_818 : memref<1x56x128xf32, #tpu.memory_space<vmem>> -> memref<56x128xf32, #tpu.memory_space<vmem>>
        tpu.wait_dma2 semaphore(%arg21 : memref<!tpu.dma_semaphore, #tpu.memory_space<semaphore_mem>>) src(%dma_wait3A_819 : memref<56x128xf32, #tpu.memory_space<vmem>>) dst(%dma_wait3A_815 : memref<56x128xf32, #tpu.memory_space<hbm>>)
      } else {
      }
      %add3A_188 = arith.constant 1 : i32
      %add3A_189 = arith.addi %add3A_150, %add3A_188 : i32
      %lt3A_190 = arith.constant 128 : i32
      %lt3A_191 = arith.cmpi slt, %add3A_189, %lt3A_190 : i32
      %convert_element_type3A_192 = arith.extui %lt3A_191 : i1 to i32
      %cond3A_193 = arith.constant 0 : i32
      %cond3A_194 = arith.cmpi ne, %convert_element_type3A_192, %cond3A_193 : i32
      scf.if %cond3A_194 {
        %add3A_795 = arith.constant 1 : i32
        %add3A_796 = arith.addi %add3A_150, %add3A_795 : i32
        %mul3A_797 = arith.constant 4 : i32
        %mul3A_798 = arith.muli %add3A_796, %mul3A_797 : i32
        %add3A_799 = arith.constant 2 : i32
        %add3A_800 = arith.addi %mul3A_798, %add3A_799 : i32
        %rem3A_801 = arith.constant 128 : i32
        %rem3A_802 = arith.remsi %add3A_800, %rem3A_801 : i32
        %jit3A_803 = arith.constant 128 : i32
        %div3A_804 = arith.divsi %add3A_800, %jit3A_803 : i32
        %sign3A_805 = arith.constant 0 : i32
        %sign3A_806 = arith.cmpi sgt, %add3A_800, %sign3A_805 : i32
        %sign3A_807 = arith.extui %sign3A_806 : i1 to i32
        %sign3A_808 = arith.constant 0 : i32
        %sign3A_809 = arith.cmpi slt, %add3A_800, %sign3A_808 : i32
        %sign3A_810 = arith.extui %sign3A_809 : i1 to i32
        %sign3A_811 = arith.subi %sign3A_807, %sign3A_810 : i32
        %sign3A_812 = arith.constant 0 : i32
        %sign3A_813 = arith.cmpi sgt, %jit3A_803, %sign3A_812 : i32
        %sign3A_814 = arith.extui %sign3A_813 : i1 to i32
        %sign3A_815 = arith.constant 0 : i32
        %sign3A_816 = arith.cmpi slt, %jit3A_803, %sign3A_815 : i32
        %sign3A_817 = arith.extui %sign3A_816 : i1 to i32
        %sign3A_818 = arith.subi %sign3A_814, %sign3A_817 : i32
        %ne3A_819 = arith.cmpi ne, %sign3A_811, %sign3A_818 : i32
        %rem3A_820 = arith.remsi %add3A_800, %jit3A_803 : i32
        %ne3A_821 = arith.constant 0 : i32
        %ne3A_822 = arith.cmpi ne, %rem3A_820, %ne3A_821 : i32
        %and3A_823 = arith.andi %ne3A_819, %ne3A_822 : i1
        %sub3A_824 = arith.constant 1 : i32
        %sub3A_825 = arith.subi %div3A_804, %sub3A_824 : i32
        %select_n3A_826 = arith.select %and3A_823, %sub3A_825, %div3A_804 : i32
        %rem3A_827 = arith.constant 2 : i32
        %rem3A_828 = arith.remsi %select_n3A_826, %rem3A_827 : i32
        %dma_start3A_829 = arith.constant 6 : i32
        %dma_start3A_830 = arith.constant 0 : i32
        %dma_start3A_831 = arith.constant 0 : i32
        %dma_start3A_832 = tpu.memref_slice %arg6[%dma_start3A_829, %dma_start3A_830, %dma_start3A_831] : memref<8x56x128xf32, #tpu.memory_space<vmem>> -> memref<1x56x128xf32, #tpu.memory_space<vmem>>
        %dma_start3A_833 = tpu.memref_squeeze %dma_start3A_832 : memref<1x56x128xf32, #tpu.memory_space<vmem>> -> memref<56x128xf32, #tpu.memory_space<vmem>>
        %dma_start3A_834 = arith.constant 0 : i32
        %dma_start3A_835 = tpu.memref_slice %arg5[%rem3A_828, %rem3A_802, %dma_start3A_834] : memref<2x128x128xi32, #tpu.memory_space<vmem>> -> memref<1x1x56xi32, #tpu.memory_space<vmem>>
        %dma_start3A_836 = tpu.memref_squeeze %dma_start3A_835 : memref<1x1x56xi32, #tpu.memory_space<vmem>> -> memref<56xi32, #tpu.memory_space<vmem>>
        %dma_start3A_837 = arith.constant 0 : i32
        %dma_start3A_838 = arith.constant 0 : i32
        %dma_start3A_839 = tpu.memref_slice %arg3[%dma_start3A_837, %dma_start3A_838] : memref<1000000x128xf32, #tpu.memory_space<hbm>> -> memref<1000000x128xf32, #tpu.memory_space<hbm>>
        tpu.enqueue_indirect_dma source(%dma_start3A_839 : memref<1000000x128xf32, #tpu.memory_space<hbm>>) target(%dma_start3A_833 : memref<56x128xf32, #tpu.memory_space<vmem>>) offsets(%dma_start3A_836 : memref<56xi32, #tpu.memory_space<vmem>>) semaphore(%arg13 : memref<!tpu.dma_semaphore, #tpu.memory_space<semaphore_mem>>)
      } else {
      }
      %ge3A_195 = arith.constant 1 : i32
      %ge3A_196 = arith.cmpi sge, %add3A_150, %ge3A_195 : i32
      %convert_element_type3A_197 = arith.extui %ge3A_196 : i1 to i32
      %cond3A_198 = arith.constant 0 : i32
      %cond3A_199 = arith.cmpi ne, %convert_element_type3A_197, %cond3A_198 : i32
      scf.if %cond3A_199 {
        %sub3A_795 = arith.constant 1 : i32
        %sub3A_796 = arith.subi %add3A_150, %sub3A_795 : i32
        %mul3A_797 = arith.constant 4 : i32
        %mul3A_798 = arith.muli %sub3A_796, %mul3A_797 : i32
        %add3A_799 = arith.constant 3 : i32
        %add3A_800 = arith.addi %mul3A_798, %add3A_799 : i32
        %mul3A_801 = arith.constant 1 : i32
        %mul3A_802 = arith.muli %add3A_800, %mul3A_801 : i32
        %add3A_803 = arith.addi %mul3A_2, %mul3A_802 : i32
        %mul3A_804 = arith.constant 56 : i32
        %mul3A_805 = arith.muli %add3A_803, %mul3A_804 : i32
        %multiple_of3A_806 = tpu.assume_multiple %mul3A_805, 8 : i32
        %dma_wait3A_807 = arith.constant 7 : i32
        %dma_wait3A_808 = arith.constant 0 : i32
        %dma_wait3A_809 = arith.constant 0 : i32
        %dma_wait3A_810 = tpu.memref_slice %arg6[%dma_wait3A_807, %dma_wait3A_808, %dma_wait3A_809] : memref<8x56x128xf32, #tpu.memory_space<vmem>> -> memref<1x56x128xf32, #tpu.memory_space<vmem>>
        %dma_wait3A_811 = tpu.memref_squeeze %dma_wait3A_810 : memref<1x56x128xf32, #tpu.memory_space<vmem>> -> memref<56x128xf32, #tpu.memory_space<vmem>>
        %dma_wait3A_812 = arith.constant 0 : i32
        %dma_wait3A_813 = tpu.memref_slice %arg4[%multiple_of3A_806, %dma_wait3A_812] : memref<917504x128xf32, #tpu.memory_space<hbm>> -> memref<56x128xf32, #tpu.memory_space<hbm>>
        %dma_wait3A_814 = arith.constant 0 : i32
        %dma_wait3A_815 = tpu.memref_slice %arg4[%multiple_of3A_806, %dma_wait3A_814] : memref<917504x128xf32, #tpu.memory_space<hbm>> -> memref<56x128xf32, #tpu.memory_space<hbm>>
        %dma_wait3A_816 = arith.constant 0 : i32
        %dma_wait3A_817 = arith.constant 0 : i32
        %dma_wait3A_818 = tpu.memref_slice %arg6[%dma_wait3A_807, %dma_wait3A_816, %dma_wait3A_817] : memref<8x56x128xf32, #tpu.memory_space<vmem>> -> memref<1x56x128xf32, #tpu.memory_space<vmem>>
        %dma_wait3A_819 = tpu.memref_squeeze %dma_wait3A_818 : memref<1x56x128xf32, #tpu.memory_space<vmem>> -> memref<56x128xf32, #tpu.memory_space<vmem>>
        tpu.wait_dma2 semaphore(%arg22 : memref<!tpu.dma_semaphore, #tpu.memory_space<semaphore_mem>>) src(%dma_wait3A_819 : memref<56x128xf32, #tpu.memory_space<vmem>>) dst(%dma_wait3A_815 : memref<56x128xf32, #tpu.memory_space<hbm>>)
      } else {
      }
      %add3A_200 = arith.constant 1 : i32
      %add3A_201 = arith.addi %add3A_150, %add3A_200 : i32
      %lt3A_202 = arith.constant 128 : i32
      %lt3A_203 = arith.cmpi slt, %add3A_201, %lt3A_202 : i32
      %convert_element_type3A_204 = arith.extui %lt3A_203 : i1 to i32
      %cond3A_205 = arith.constant 0 : i32
      %cond3A_206 = arith.cmpi ne, %convert_element_type3A_204, %cond3A_205 : i32
      scf.if %cond3A_206 {
        %add3A_795 = arith.constant 1 : i32
        %add3A_796 = arith.addi %add3A_150, %add3A_795 : i32
        %mul3A_797 = arith.constant 4 : i32
        %mul3A_798 = arith.muli %add3A_796, %mul3A_797 : i32
        %add3A_799 = arith.constant 3 : i32
        %add3A_800 = arith.addi %mul3A_798, %add3A_799 : i32
        %rem3A_801 = arith.constant 128 : i32
        %rem3A_802 = arith.remsi %add3A_800, %rem3A_801 : i32
        %jit3A_803 = arith.constant 128 : i32
        %div3A_804 = arith.divsi %add3A_800, %jit3A_803 : i32
        %sign3A_805 = arith.constant 0 : i32
        %sign3A_806 = arith.cmpi sgt, %add3A_800, %sign3A_805 : i32
        %sign3A_807 = arith.extui %sign3A_806 : i1 to i32
        %sign3A_808 = arith.constant 0 : i32
        %sign3A_809 = arith.cmpi slt, %add3A_800, %sign3A_808 : i32
        %sign3A_810 = arith.extui %sign3A_809 : i1 to i32
        %sign3A_811 = arith.subi %sign3A_807, %sign3A_810 : i32
        %sign3A_812 = arith.constant 0 : i32
        %sign3A_813 = arith.cmpi sgt, %jit3A_803, %sign3A_812 : i32
        %sign3A_814 = arith.extui %sign3A_813 : i1 to i32
        %sign3A_815 = arith.constant 0 : i32
        %sign3A_816 = arith.cmpi slt, %jit3A_803, %sign3A_815 : i32
        %sign3A_817 = arith.extui %sign3A_816 : i1 to i32
        %sign3A_818 = arith.subi %sign3A_814, %sign3A_817 : i32
        %ne3A_819 = arith.cmpi ne, %sign3A_811, %sign3A_818 : i32
        %rem3A_820 = arith.remsi %add3A_800, %jit3A_803 : i32
        %ne3A_821 = arith.constant 0 : i32
        %ne3A_822 = arith.cmpi ne, %rem3A_820, %ne3A_821 : i32
        %and3A_823 = arith.andi %ne3A_819, %ne3A_822 : i1
        %sub3A_824 = arith.constant 1 : i32
        %sub3A_825 = arith.subi %div3A_804, %sub3A_824 : i32
        %select_n3A_826 = arith.select %and3A_823, %sub3A_825, %div3A_804 : i32
        %rem3A_827 = arith.constant 2 : i32
        %rem3A_828 = arith.remsi %select_n3A_826, %rem3A_827 : i32
        %dma_start3A_829 = arith.constant 7 : i32
        %dma_start3A_830 = arith.constant 0 : i32
        %dma_start3A_831 = arith.constant 0 : i32
        %dma_start3A_832 = tpu.memref_slice %arg6[%dma_start3A_829, %dma_start3A_830, %dma_start3A_831] : memref<8x56x128xf32, #tpu.memory_space<vmem>> -> memref<1x56x128xf32, #tpu.memory_space<vmem>>
        %dma_start3A_833 = tpu.memref_squeeze %dma_start3A_832 : memref<1x56x128xf32, #tpu.memory_space<vmem>> -> memref<56x128xf32, #tpu.memory_space<vmem>>
        %dma_start3A_834 = arith.constant 0 : i32
        %dma_start3A_835 = tpu.memref_slice %arg5[%rem3A_828, %rem3A_802, %dma_start3A_834] : memref<2x128x128xi32, #tpu.memory_space<vmem>> -> memref<1x1x56xi32, #tpu.memory_space<vmem>>
        %dma_start3A_836 = tpu.memref_squeeze %dma_start3A_835 : memref<1x1x56xi32, #tpu.memory_space<vmem>> -> memref<56xi32, #tpu.memory_space<vmem>>
        %dma_start3A_837 = arith.constant 0 : i32
        %dma_start3A_838 = arith.constant 0 : i32
        %dma_start3A_839 = tpu.memref_slice %arg3[%dma_start3A_837, %dma_start3A_838] : memref<1000000x128xf32, #tpu.memory_space<hbm>> -> memref<1000000x128xf32, #tpu.memory_space<hbm>>
        tpu.enqueue_indirect_dma source(%dma_start3A_839 : memref<1000000x128xf32, #tpu.memory_space<hbm>>) target(%dma_start3A_833 : memref<56x128xf32, #tpu.memory_space<vmem>>) offsets(%dma_start3A_836 : memref<56xi32, #tpu.memory_space<vmem>>) semaphore(%arg14 : memref<!tpu.dma_semaphore, #tpu.memory_space<semaphore_mem>>)
      } else {
      }
      %mul3A_207 = arith.constant 4 : i32
      %mul3A_208 = arith.muli %add3A_150, %mul3A_207 : i32
      %add3A_209 = arith.constant 0 : i32
      %add3A_210 = arith.addi %mul3A_208, %add3A_209 : i32
      %rem3A_211 = arith.constant 128 : i32
      %rem3A_212 = arith.remsi %add3A_210, %rem3A_211 : i32
      %jit3A = arith.constant 128 : i32
      %div3A = arith.divsi %add3A_210, %jit3A : i32
      %sign3A = arith.constant 0 : i32
      %sign3A_213 = arith.cmpi sgt, %add3A_210, %sign3A : i32
      %sign3A_214 = arith.extui %sign3A_213 : i1 to i32
      %sign3A_215 = arith.constant 0 : i32
      %sign3A_216 = arith.cmpi slt, %add3A_210, %sign3A_215 : i32
      %sign3A_217 = arith.extui %sign3A_216 : i1 to i32
      %sign3A_218 = arith.subi %sign3A_214, %sign3A_217 : i32
      %sign3A_219 = arith.constant 0 : i32
      %sign3A_220 = arith.cmpi sgt, %jit3A, %sign3A_219 : i32
      %sign3A_221 = arith.extui %sign3A_220 : i1 to i32
      %sign3A_222 = arith.constant 0 : i32
      %sign3A_223 = arith.cmpi slt, %jit3A, %sign3A_222 : i32
      %sign3A_224 = arith.extui %sign3A_223 : i1 to i32
      %sign3A_225 = arith.subi %sign3A_221, %sign3A_224 : i32
      %ne3A = arith.cmpi ne, %sign3A_218, %sign3A_225 : i32
      %rem3A_226 = arith.remsi %add3A_210, %jit3A : i32
      %ne3A_227 = arith.constant 0 : i32
      %ne3A_228 = arith.cmpi ne, %rem3A_226, %ne3A_227 : i32
      %and3A_229 = arith.andi %ne3A, %ne3A_228 : i1
      %sub3A = arith.constant 1 : i32
      %sub3A_230 = arith.subi %div3A, %sub3A : i32
      %select_n3A = arith.select %and3A_229, %sub3A_230, %div3A : i32
      %rem3A_231 = arith.constant 2 : i32
      %rem3A_232 = arith.remsi %select_n3A, %rem3A_231 : i32
      %dma_wait3A_233 = arith.constant 0 : i32
      %dma_wait3A_234 = arith.constant 0 : i32
      %dma_wait3A_235 = arith.constant 0 : i32
      %dma_wait3A_236 = tpu.memref_slice %arg6[%dma_wait3A_233, %dma_wait3A_234, %dma_wait3A_235] : memref<8x56x128xf32, #tpu.memory_space<vmem>> -> memref<1x56x128xf32, #tpu.memory_space<vmem>>
      %dma_wait3A_237 = tpu.memref_squeeze %dma_wait3A_236 : memref<1x56x128xf32, #tpu.memory_space<vmem>> -> memref<56x128xf32, #tpu.memory_space<vmem>>
      %dma_wait3A_238 = arith.constant 0 : i32
      %dma_wait3A_239 = tpu.memref_slice %arg5[%rem3A_232, %rem3A_212, %dma_wait3A_238] : memref<2x128x128xi32, #tpu.memory_space<vmem>> -> memref<1x1x56xi32, #tpu.memory_space<vmem>>
      %dma_wait3A_240 = tpu.memref_squeeze %dma_wait3A_239 : memref<1x1x56xi32, #tpu.memory_space<vmem>> -> memref<56xi32, #tpu.memory_space<vmem>>
      %dma_wait3A_241 = arith.constant 0 : i32
      %dma_wait3A_242 = arith.constant 0 : i32
      %dma_wait3A_243 = tpu.memref_slice %arg3[%dma_wait3A_241, %dma_wait3A_242] : memref<1000000x128xf32, #tpu.memory_space<hbm>> -> memref<1000000x128xf32, #tpu.memory_space<hbm>>
      tpu.wait_indirect_dma semaphore(%arg7 : memref<!tpu.dma_semaphore, #tpu.memory_space<semaphore_mem>>) src(%dma_wait3A_243 : memref<1000000x128xf32, #tpu.memory_space<hbm>>) dst(%dma_wait3A_237 : memref<56x128xf32, #tpu.memory_space<vmem>>)
      %mul3A_244 = arith.constant 4 : i32
      %mul3A_245 = arith.muli %add3A_150, %mul3A_244 : i32
      %add3A_246 = arith.constant 0 : i32
      %add3A_247 = arith.addi %mul3A_245, %add3A_246 : i32
      %mul3A_248 = arith.constant 1 : i32
      %mul3A_249 = arith.muli %add3A_247, %mul3A_248 : i32
      %add3A_250 = arith.addi %mul3A_2, %mul3A_249 : i32
      %mul3A_251 = arith.constant 56 : i32
      %mul3A_252 = arith.muli %add3A_250, %mul3A_251 : i32
      %multiple_of3A_253 = tpu.assume_multiple %mul3A_252, 8 : i32
      %dma_start3A_254 = arith.constant 0 : i32
      %dma_start3A_255 = arith.constant 0 : i32
      %dma_start3A_256 = arith.constant 0 : i32
      %dma_start3A_257 = tpu.memref_slice %arg6[%dma_start3A_254, %dma_start3A_255, %dma_start3A_256] : memref<8x56x128xf32, #tpu.memory_space<vmem>> -> memref<1x56x128xf32, #tpu.memory_space<vmem>>
      %dma_start3A_258 = tpu.memref_squeeze %dma_start3A_257 : memref<1x56x128xf32, #tpu.memory_space<vmem>> -> memref<56x128xf32, #tpu.memory_space<vmem>>
      %dma_start3A_259 = arith.constant 0 : i32
      %dma_start3A_260 = tpu.memref_slice %arg4[%multiple_of3A_253, %dma_start3A_259] : memref<917504x128xf32, #tpu.memory_space<hbm>> -> memref<56x128xf32, #tpu.memory_space<hbm>>
      %dma_start3A_261 = arith.constant 0 : i32
      %dma_start3A_262 = tpu.memref_slice %arg4[%multiple_of3A_253, %dma_start3A_261] : memref<917504x128xf32, #tpu.memory_space<hbm>> -> memref<56x128xf32, #tpu.memory_space<hbm>>
      %dma_start3A_263 = arith.constant 0 : i32
      %dma_start3A_264 = arith.constant 0 : i32
      %dma_start3A_265 = tpu.memref_slice %arg6[%dma_start3A_254, %dma_start3A_263, %dma_start3A_264] : memref<8x56x128xf32, #tpu.memory_space<vmem>> -> memref<1x56x128xf32, #tpu.memory_space<vmem>>
      %dma_start3A_266 = tpu.memref_squeeze %dma_start3A_265 : memref<1x56x128xf32, #tpu.memory_space<vmem>> -> memref<56x128xf32, #tpu.memory_space<vmem>>
      tpu.enqueue_dma source(%dma_start3A_266 : memref<56x128xf32, #tpu.memory_space<vmem>>) target(%dma_start3A_262 : memref<56x128xf32, #tpu.memory_space<hbm>>) target_semaphore(%arg15 : memref<!tpu.dma_semaphore, #tpu.memory_space<semaphore_mem>>)
      %mul3A_267 = arith.constant 4 : i32
      %mul3A_268 = arith.muli %add3A_150, %mul3A_267 : i32
      %add3A_269 = arith.constant 1 : i32
      %add3A_270 = arith.addi %mul3A_268, %add3A_269 : i32
      %rem3A_271 = arith.constant 128 : i32
      %rem3A_272 = arith.remsi %add3A_270, %rem3A_271 : i32
      %jit3A_273 = arith.constant 128 : i32
      %div3A_274 = arith.divsi %add3A_270, %jit3A_273 : i32
      %sign3A_275 = arith.constant 0 : i32
      %sign3A_276 = arith.cmpi sgt, %add3A_270, %sign3A_275 : i32
      %sign3A_277 = arith.extui %sign3A_276 : i1 to i32
      %sign3A_278 = arith.constant 0 : i32
      %sign3A_279 = arith.cmpi slt, %add3A_270, %sign3A_278 : i32
      %sign3A_280 = arith.extui %sign3A_279 : i1 to i32
      %sign3A_281 = arith.subi %sign3A_277, %sign3A_280 : i32
      %sign3A_282 = arith.constant 0 : i32
      %sign3A_283 = arith.cmpi sgt, %jit3A_273, %sign3A_282 : i32
      %sign3A_284 = arith.extui %sign3A_283 : i1 to i32
      %sign3A_285 = arith.constant 0 : i32
      %sign3A_286 = arith.cmpi slt, %jit3A_273, %sign3A_285 : i32
      %sign3A_287 = arith.extui %sign3A_286 : i1 to i32
      %sign3A_288 = arith.subi %sign3A_284, %sign3A_287 : i32
      %ne3A_289 = arith.cmpi ne, %sign3A_281, %sign3A_288 : i32
      %rem3A_290 = arith.remsi %add3A_270, %jit3A_273 : i32
      %ne3A_291 = arith.constant 0 : i32
      %ne3A_292 = arith.cmpi ne, %rem3A_290, %ne3A_291 : i32
      %and3A_293 = arith.andi %ne3A_289, %ne3A_292 : i1
      %sub3A_294 = arith.constant 1 : i32
      %sub3A_295 = arith.subi %div3A_274, %sub3A_294 : i32
      %select_n3A_296 = arith.select %and3A_293, %sub3A_295, %div3A_274 : i32
      %rem3A_297 = arith.constant 2 : i32
      %rem3A_298 = arith.remsi %select_n3A_296, %rem3A_297 : i32
      %dma_wait3A_299 = arith.constant 1 : i32
      %dma_wait3A_300 = arith.constant 0 : i32
      %dma_wait3A_301 = arith.constant 0 : i32
      %dma_wait3A_302 = tpu.memref_slice %arg6[%dma_wait3A_299, %dma_wait3A_300, %dma_wait3A_301] : memref<8x56x128xf32, #tpu.memory_space<vmem>> -> memref<1x56x128xf32, #tpu.memory_space<vmem>>
      %dma_wait3A_303 = tpu.memref_squeeze %dma_wait3A_302 : memref<1x56x128xf32, #tpu.memory_space<vmem>> -> memref<56x128xf32, #tpu.memory_space<vmem>>
      %dma_wait3A_304 = arith.constant 0 : i32
      %dma_wait3A_305 = tpu.memref_slice %arg5[%rem3A_298, %rem3A_272, %dma_wait3A_304] : memref<2x128x128xi32, #tpu.memory_space<vmem>> -> memref<1x1x56xi32, #tpu.memory_space<vmem>>
      %dma_wait3A_306 = tpu.memref_squeeze %dma_wait3A_305 : memref<1x1x56xi32, #tpu.memory_space<vmem>> -> memref<56xi32, #tpu.memory_space<vmem>>
      %dma_wait3A_307 = arith.constant 0 : i32
      %dma_wait3A_308 = arith.constant 0 : i32
      %dma_wait3A_309 = tpu.memref_slice %arg3[%dma_wait3A_307, %dma_wait3A_308] : memref<1000000x128xf32, #tpu.memory_space<hbm>> -> memref<1000000x128xf32, #tpu.memory_space<hbm>>
      tpu.wait_indirect_dma semaphore(%arg8 : memref<!tpu.dma_semaphore, #tpu.memory_space<semaphore_mem>>) src(%dma_wait3A_309 : memref<1000000x128xf32, #tpu.memory_space<hbm>>) dst(%dma_wait3A_303 : memref<56x128xf32, #tpu.memory_space<vmem>>)
      %mul3A_310 = arith.constant 4 : i32
      %mul3A_311 = arith.muli %add3A_150, %mul3A_310 : i32
      %add3A_312 = arith.constant 1 : i32
      %add3A_313 = arith.addi %mul3A_311, %add3A_312 : i32
      %mul3A_314 = arith.constant 1 : i32
      %mul3A_315 = arith.muli %add3A_313, %mul3A_314 : i32
      %add3A_316 = arith.addi %mul3A_2, %mul3A_315 : i32
      %mul3A_317 = arith.constant 56 : i32
      %mul3A_318 = arith.muli %add3A_316, %mul3A_317 : i32
      %multiple_of3A_319 = tpu.assume_multiple %mul3A_318, 8 : i32
      %dma_start3A_320 = arith.constant 1 : i32
      %dma_start3A_321 = arith.constant 0 : i32
      %dma_start3A_322 = arith.constant 0 : i32
      %dma_start3A_323 = tpu.memref_slice %arg6[%dma_start3A_320, %dma_start3A_321, %dma_start3A_322] : memref<8x56x128xf32, #tpu.memory_space<vmem>> -> memref<1x56x128xf32, #tpu.memory_space<vmem>>
      %dma_start3A_324 = tpu.memref_squeeze %dma_start3A_323 : memref<1x56x128xf32, #tpu.memory_space<vmem>> -> memref<56x128xf32, #tpu.memory_space<vmem>>
      %dma_start3A_325 = arith.constant 0 : i32
      %dma_start3A_326 = tpu.memref_slice %arg4[%multiple_of3A_319, %dma_start3A_325] : memref<917504x128xf32, #tpu.memory_space<hbm>> -> memref<56x128xf32, #tpu.memory_space<hbm>>
      %dma_start3A_327 = arith.constant 0 : i32
      %dma_start3A_328 = tpu.memref_slice %arg4[%multiple_of3A_319, %dma_start3A_327] : memref<917504x128xf32, #tpu.memory_space<hbm>> -> memref<56x128xf32, #tpu.memory_space<hbm>>
      %dma_start3A_329 = arith.constant 0 : i32
      %dma_start3A_330 = arith.constant 0 : i32
      %dma_start3A_331 = tpu.memref_slice %arg6[%dma_start3A_320, %dma_start3A_329, %dma_start3A_330] : memref<8x56x128xf32, #tpu.memory_space<vmem>> -> memref<1x56x128xf32, #tpu.memory_space<vmem>>
      %dma_start3A_332 = tpu.memref_squeeze %dma_start3A_331 : memref<1x56x128xf32, #tpu.memory_space<vmem>> -> memref<56x128xf32, #tpu.memory_space<vmem>>
      tpu.enqueue_dma source(%dma_start3A_332 : memref<56x128xf32, #tpu.memory_space<vmem>>) target(%dma_start3A_328 : memref<56x128xf32, #tpu.memory_space<hbm>>) target_semaphore(%arg16 : memref<!tpu.dma_semaphore, #tpu.memory_space<semaphore_mem>>)
      %mul3A_333 = arith.constant 4 : i32
      %mul3A_334 = arith.muli %add3A_150, %mul3A_333 : i32
      %add3A_335 = arith.constant 2 : i32
      %add3A_336 = arith.addi %mul3A_334, %add3A_335 : i32
      %rem3A_337 = arith.constant 128 : i32
      %rem3A_338 = arith.remsi %add3A_336, %rem3A_337 : i32
      %jit3A_339 = arith.constant 128 : i32
      %div3A_340 = arith.divsi %add3A_336, %jit3A_339 : i32
      %sign3A_341 = arith.constant 0 : i32
      %sign3A_342 = arith.cmpi sgt, %add3A_336, %sign3A_341 : i32
      %sign3A_343 = arith.extui %sign3A_342 : i1 to i32
      %sign3A_344 = arith.constant 0 : i32
      %sign3A_345 = arith.cmpi slt, %add3A_336, %sign3A_344 : i32
      %sign3A_346 = arith.extui %sign3A_345 : i1 to i32
      %sign3A_347 = arith.subi %sign3A_343, %sign3A_346 : i32
      %sign3A_348 = arith.constant 0 : i32
      %sign3A_349 = arith.cmpi sgt, %jit3A_339, %sign3A_348 : i32
      %sign3A_350 = arith.extui %sign3A_349 : i1 to i32
      %sign3A_351 = arith.constant 0 : i32
      %sign3A_352 = arith.cmpi slt, %jit3A_339, %sign3A_351 : i32
      %sign3A_353 = arith.extui %sign3A_352 : i1 to i32
      %sign3A_354 = arith.subi %sign3A_350, %sign3A_353 : i32
      %ne3A_355 = arith.cmpi ne, %sign3A_347, %sign3A_354 : i32
      %rem3A_356 = arith.remsi %add3A_336, %jit3A_339 : i32
      %ne3A_357 = arith.constant 0 : i32
      %ne3A_358 = arith.cmpi ne, %rem3A_356, %ne3A_357 : i32
      %and3A_359 = arith.andi %ne3A_355, %ne3A_358 : i1
      %sub3A_360 = arith.constant 1 : i32
      %sub3A_361 = arith.subi %div3A_340, %sub3A_360 : i32
      %select_n3A_362 = arith.select %and3A_359, %sub3A_361, %div3A_340 : i32
      %rem3A_363 = arith.constant 2 : i32
      %rem3A_364 = arith.remsi %select_n3A_362, %rem3A_363 : i32
      %dma_wait3A_365 = arith.constant 2 : i32
      %dma_wait3A_366 = arith.constant 0 : i32
      %dma_wait3A_367 = arith.constant 0 : i32
      %dma_wait3A_368 = tpu.memref_slice %arg6[%dma_wait3A_365, %dma_wait3A_366, %dma_wait3A_367] : memref<8x56x128xf32, #tpu.memory_space<vmem>> -> memref<1x56x128xf32, #tpu.memory_space<vmem>>
      %dma_wait3A_369 = tpu.memref_squeeze %dma_wait3A_368 : memref<1x56x128xf32, #tpu.memory_space<vmem>> -> memref<56x128xf32, #tpu.memory_space<vmem>>
      %dma_wait3A_370 = arith.constant 0 : i32
      %dma_wait3A_371 = tpu.memref_slice %arg5[%rem3A_364, %rem3A_338, %dma_wait3A_370] : memref<2x128x128xi32, #tpu.memory_space<vmem>> -> memref<1x1x56xi32, #tpu.memory_space<vmem>>
      %dma_wait3A_372 = tpu.memref_squeeze %dma_wait3A_371 : memref<1x1x56xi32, #tpu.memory_space<vmem>> -> memref<56xi32, #tpu.memory_space<vmem>>
      %dma_wait3A_373 = arith.constant 0 : i32
      %dma_wait3A_374 = arith.constant 0 : i32
      %dma_wait3A_375 = tpu.memref_slice %arg3[%dma_wait3A_373, %dma_wait3A_374] : memref<1000000x128xf32, #tpu.memory_space<hbm>> -> memref<1000000x128xf32, #tpu.memory_space<hbm>>
      tpu.wait_indirect_dma semaphore(%arg9 : memref<!tpu.dma_semaphore, #tpu.memory_space<semaphore_mem>>) src(%dma_wait3A_375 : memref<1000000x128xf32, #tpu.memory_space<hbm>>) dst(%dma_wait3A_369 : memref<56x128xf32, #tpu.memory_space<vmem>>)
      %mul3A_376 = arith.constant 4 : i32
      %mul3A_377 = arith.muli %add3A_150, %mul3A_376 : i32
      %add3A_378 = arith.constant 2 : i32
      %add3A_379 = arith.addi %mul3A_377, %add3A_378 : i32
      %mul3A_380 = arith.constant 1 : i32
      %mul3A_381 = arith.muli %add3A_379, %mul3A_380 : i32
      %add3A_382 = arith.addi %mul3A_2, %mul3A_381 : i32
      %mul3A_383 = arith.constant 56 : i32
      %mul3A_384 = arith.muli %add3A_382, %mul3A_383 : i32
      %multiple_of3A_385 = tpu.assume_multiple %mul3A_384, 8 : i32
      %dma_start3A_386 = arith.constant 2 : i32
      %dma_start3A_387 = arith.constant 0 : i32
      %dma_start3A_388 = arith.constant 0 : i32
      %dma_start3A_389 = tpu.memref_slice %arg6[%dma_start3A_386, %dma_start3A_387, %dma_start3A_388] : memref<8x56x128xf32, #tpu.memory_space<vmem>> -> memref<1x56x128xf32, #tpu.memory_space<vmem>>
      %dma_start3A_390 = tpu.memref_squeeze %dma_start3A_389 : memref<1x56x128xf32, #tpu.memory_space<vmem>> -> memref<56x128xf32, #tpu.memory_space<vmem>>
      %dma_start3A_391 = arith.constant 0 : i32
      %dma_start3A_392 = tpu.memref_slice %arg4[%multiple_of3A_385, %dma_start3A_391] : memref<917504x128xf32, #tpu.memory_space<hbm>> -> memref<56x128xf32, #tpu.memory_space<hbm>>
      %dma_start3A_393 = arith.constant 0 : i32
      %dma_start3A_394 = tpu.memref_slice %arg4[%multiple_of3A_385, %dma_start3A_393] : memref<917504x128xf32, #tpu.memory_space<hbm>> -> memref<56x128xf32, #tpu.memory_space<hbm>>
      %dma_start3A_395 = arith.constant 0 : i32
      %dma_start3A_396 = arith.constant 0 : i32
      %dma_start3A_397 = tpu.memref_slice %arg6[%dma_start3A_386, %dma_start3A_395, %dma_start3A_396] : memref<8x56x128xf32, #tpu.memory_space<vmem>> -> memref<1x56x128xf32, #tpu.memory_space<vmem>>
      %dma_start3A_398 = tpu.memref_squeeze %dma_start3A_397 : memref<1x56x128xf32, #tpu.memory_space<vmem>> -> memref<56x128xf32, #tpu.memory_space<vmem>>
      tpu.enqueue_dma source(%dma_start3A_398 : memref<56x128xf32, #tpu.memory_space<vmem>>) target(%dma_start3A_394 : memref<56x128xf32, #tpu.memory_space<hbm>>) target_semaphore(%arg17 : memref<!tpu.dma_semaphore, #tpu.memory_space<semaphore_mem>>)
      %mul3A_399 = arith.constant 4 : i32
      %mul3A_400 = arith.muli %add3A_150, %mul3A_399 : i32
      %add3A_401 = arith.constant 3 : i32
      %add3A_402 = arith.addi %mul3A_400, %add3A_401 : i32
      %rem3A_403 = arith.constant 128 : i32
      %rem3A_404 = arith.remsi %add3A_402, %rem3A_403 : i32
      %jit3A_405 = arith.constant 128 : i32
      %div3A_406 = arith.divsi %add3A_402, %jit3A_405 : i32
      %sign3A_407 = arith.constant 0 : i32
      %sign3A_408 = arith.cmpi sgt, %add3A_402, %sign3A_407 : i32
      %sign3A_409 = arith.extui %sign3A_408 : i1 to i32
      %sign3A_410 = arith.constant 0 : i32
      %sign3A_411 = arith.cmpi slt, %add3A_402, %sign3A_410 : i32
      %sign3A_412 = arith.extui %sign3A_411 : i1 to i32
      %sign3A_413 = arith.subi %sign3A_409, %sign3A_412 : i32
      %sign3A_414 = arith.constant 0 : i32
      %sign3A_415 = arith.cmpi sgt, %jit3A_405, %sign3A_414 : i32
      %sign3A_416 = arith.extui %sign3A_415 : i1 to i32
      %sign3A_417 = arith.constant 0 : i32
      %sign3A_418 = arith.cmpi slt, %jit3A_405, %sign3A_417 : i32
      %sign3A_419 = arith.extui %sign3A_418 : i1 to i32
      %sign3A_420 = arith.subi %sign3A_416, %sign3A_419 : i32
      %ne3A_421 = arith.cmpi ne, %sign3A_413, %sign3A_420 : i32
      %rem3A_422 = arith.remsi %add3A_402, %jit3A_405 : i32
      %ne3A_423 = arith.constant 0 : i32
      %ne3A_424 = arith.cmpi ne, %rem3A_422, %ne3A_423 : i32
      %and3A_425 = arith.andi %ne3A_421, %ne3A_424 : i1
      %sub3A_426 = arith.constant 1 : i32
      %sub3A_427 = arith.subi %div3A_406, %sub3A_426 : i32
      %select_n3A_428 = arith.select %and3A_425, %sub3A_427, %div3A_406 : i32
      %rem3A_429 = arith.constant 2 : i32
      %rem3A_430 = arith.remsi %select_n3A_428, %rem3A_429 : i32
      %dma_wait3A_431 = arith.constant 3 : i32
      %dma_wait3A_432 = arith.constant 0 : i32
      %dma_wait3A_433 = arith.constant 0 : i32
      %dma_wait3A_434 = tpu.memref_slice %arg6[%dma_wait3A_431, %dma_wait3A_432, %dma_wait3A_433] : memref<8x56x128xf32, #tpu.memory_space<vmem>> -> memref<1x56x128xf32, #tpu.memory_space<vmem>>
      %dma_wait3A_435 = tpu.memref_squeeze %dma_wait3A_434 : memref<1x56x128xf32, #tpu.memory_space<vmem>> -> memref<56x128xf32, #tpu.memory_space<vmem>>
      %dma_wait3A_436 = arith.constant 0 : i32
      %dma_wait3A_437 = tpu.memref_slice %arg5[%rem3A_430, %rem3A_404, %dma_wait3A_436] : memref<2x128x128xi32, #tpu.memory_space<vmem>> -> memref<1x1x56xi32, #tpu.memory_space<vmem>>
      %dma_wait3A_438 = tpu.memref_squeeze %dma_wait3A_437 : memref<1x1x56xi32, #tpu.memory_space<vmem>> -> memref<56xi32, #tpu.memory_space<vmem>>
      %dma_wait3A_439 = arith.constant 0 : i32
      %dma_wait3A_440 = arith.constant 0 : i32
      %dma_wait3A_441 = tpu.memref_slice %arg3[%dma_wait3A_439, %dma_wait3A_440] : memref<1000000x128xf32, #tpu.memory_space<hbm>> -> memref<1000000x128xf32, #tpu.memory_space<hbm>>
      tpu.wait_indirect_dma semaphore(%arg10 : memref<!tpu.dma_semaphore, #tpu.memory_space<semaphore_mem>>) src(%dma_wait3A_441 : memref<1000000x128xf32, #tpu.memory_space<hbm>>) dst(%dma_wait3A_435 : memref<56x128xf32, #tpu.memory_space<vmem>>)
      %mul3A_442 = arith.constant 4 : i32
      %mul3A_443 = arith.muli %add3A_150, %mul3A_442 : i32
      %add3A_444 = arith.constant 3 : i32
      %add3A_445 = arith.addi %mul3A_443, %add3A_444 : i32
      %mul3A_446 = arith.constant 1 : i32
      %mul3A_447 = arith.muli %add3A_445, %mul3A_446 : i32
      %add3A_448 = arith.addi %mul3A_2, %mul3A_447 : i32
      %mul3A_449 = arith.constant 56 : i32
      %mul3A_450 = arith.muli %add3A_448, %mul3A_449 : i32
      %multiple_of3A_451 = tpu.assume_multiple %mul3A_450, 8 : i32
      %dma_start3A_452 = arith.constant 3 : i32
      %dma_start3A_453 = arith.constant 0 : i32
      %dma_start3A_454 = arith.constant 0 : i32
      %dma_start3A_455 = tpu.memref_slice %arg6[%dma_start3A_452, %dma_start3A_453, %dma_start3A_454] : memref<8x56x128xf32, #tpu.memory_space<vmem>> -> memref<1x56x128xf32, #tpu.memory_space<vmem>>
      %dma_start3A_456 = tpu.memref_squeeze %dma_start3A_455 : memref<1x56x128xf32, #tpu.memory_space<vmem>> -> memref<56x128xf32, #tpu.memory_space<vmem>>
      %dma_start3A_457 = arith.constant 0 : i32
      %dma_start3A_458 = tpu.memref_slice %arg4[%multiple_of3A_451, %dma_start3A_457] : memref<917504x128xf32, #tpu.memory_space<hbm>> -> memref<56x128xf32, #tpu.memory_space<hbm>>
      %dma_start3A_459 = arith.constant 0 : i32
      %dma_start3A_460 = tpu.memref_slice %arg4[%multiple_of3A_451, %dma_start3A_459] : memref<917504x128xf32, #tpu.memory_space<hbm>> -> memref<56x128xf32, #tpu.memory_space<hbm>>
      %dma_start3A_461 = arith.constant 0 : i32
      %dma_start3A_462 = arith.constant 0 : i32
      %dma_start3A_463 = tpu.memref_slice %arg6[%dma_start3A_452, %dma_start3A_461, %dma_start3A_462] : memref<8x56x128xf32, #tpu.memory_space<vmem>> -> memref<1x56x128xf32, #tpu.memory_space<vmem>>
      %dma_start3A_464 = tpu.memref_squeeze %dma_start3A_463 : memref<1x56x128xf32, #tpu.memory_space<vmem>> -> memref<56x128xf32, #tpu.memory_space<vmem>>
      tpu.enqueue_dma source(%dma_start3A_464 : memref<56x128xf32, #tpu.memory_space<vmem>>) target(%dma_start3A_460 : memref<56x128xf32, #tpu.memory_space<hbm>>) target_semaphore(%arg18 : memref<!tpu.dma_semaphore, #tpu.memory_space<semaphore_mem>>)
      %mul3A_465 = arith.constant 2 : i32
      %mul3A_466 = arith.muli %mul3A_465, %scan3A_146 : i32
      %add3A_467 = arith.constant 1 : i32
      %add3A_468 = arith.addi %mul3A_466, %add3A_467 : i32
      %add3A_469 = arith.constant 1 : i32
      %add3A_470 = arith.addi %add3A_468, %add3A_469 : i32
      %rem3A_471 = arith.constant 32 : i32
      %rem3A_472 = arith.remsi %add3A_470, %rem3A_471 : i32
      %eq3A_473 = arith.constant 0 : i32
      %eq3A_474 = arith.cmpi eq, %rem3A_472, %eq3A_473 : i32
      %add3A_475 = arith.constant 1 : i32
      %add3A_476 = arith.addi %add3A_468, %add3A_475 : i32
      %lt3A_477 = arith.constant 128 : i32
      %lt3A_478 = arith.cmpi slt, %add3A_476, %lt3A_477 : i32
      %and3A_479 = arith.andi %eq3A_474, %lt3A_478 : i1
      %convert_element_type3A_480 = arith.extui %and3A_479 : i1 to i32
      %cond3A_481 = arith.constant 0 : i32
      %cond3A_482 = arith.cmpi ne, %convert_element_type3A_480, %cond3A_481 : i32
      scf.if %cond3A_482 {
        %add3A_795 = arith.constant 1 : i32
        %add3A_796 = arith.addi %add3A_468, %add3A_795 : i32
        %mul3A_797 = arith.constant 4 : i32
        %mul3A_798 = arith.muli %add3A_796, %mul3A_797 : i32
        %mul3A_799 = arith.constant 1 : i32
        %mul3A_800 = arith.muli %mul3A_798, %mul3A_799 : i32
        %jit3A_801 = arith.constant 128 : i32
        %div3A_802 = arith.divsi %mul3A_800, %jit3A_801 : i32
        %sign3A_803 = arith.constant 0 : i32
        %sign3A_804 = arith.cmpi sgt, %mul3A_800, %sign3A_803 : i32
        %sign3A_805 = arith.extui %sign3A_804 : i1 to i32
        %sign3A_806 = arith.constant 0 : i32
        %sign3A_807 = arith.cmpi slt, %mul3A_800, %sign3A_806 : i32
        %sign3A_808 = arith.extui %sign3A_807 : i1 to i32
        %sign3A_809 = arith.subi %sign3A_805, %sign3A_808 : i32
        %sign3A_810 = arith.constant 0 : i32
        %sign3A_811 = arith.cmpi sgt, %jit3A_801, %sign3A_810 : i32
        %sign3A_812 = arith.extui %sign3A_811 : i1 to i32
        %sign3A_813 = arith.constant 0 : i32
        %sign3A_814 = arith.cmpi slt, %jit3A_801, %sign3A_813 : i32
        %sign3A_815 = arith.extui %sign3A_814 : i1 to i32
        %sign3A_816 = arith.subi %sign3A_812, %sign3A_815 : i32
        %ne3A_817 = arith.cmpi ne, %sign3A_809, %sign3A_816 : i32
        %rem3A_818 = arith.remsi %mul3A_800, %jit3A_801 : i32
        %ne3A_819 = arith.constant 0 : i32
        %ne3A_820 = arith.cmpi ne, %rem3A_818, %ne3A_819 : i32
        %and3A_821 = arith.andi %ne3A_817, %ne3A_820 : i1
        %sub3A_822 = arith.constant 1 : i32
        %sub3A_823 = arith.subi %div3A_802, %sub3A_822 : i32
        %select_n3A_824 = arith.select %and3A_821, %sub3A_823, %div3A_802 : i32
        %rem3A_825 = arith.constant 2 : i32
        %rem3A_826 = arith.remsi %select_n3A_824, %rem3A_825 : i32
        %add3A_827 = arith.addi %mul3A_2, %mul3A_800 : i32
        %multiple_of3A_828 = tpu.assume_multiple %add3A_827, 8 : i32
        "tpu.region"() ({
          %run_scoped3A_829 = tpu.sem_alloc : memref<!tpu.dma_semaphore, #tpu.memory_space<semaphore_mem>>
          %dma_start3A_830 = arith.constant 0 : i32
          %dma_start3A_831 = arith.constant 0 : i32
          %dma_start3A_832 = tpu.memref_slice %arg5[%rem3A_826, %dma_start3A_830, %dma_start3A_831] : memref<2x128x128xi32, #tpu.memory_space<vmem>> -> memref<1x128x128xi32, #tpu.memory_space<vmem>>
          %dma_start3A_833 = tpu.memref_squeeze %dma_start3A_832 : memref<1x128x128xi32, #tpu.memory_space<vmem>> -> memref<128x128xi32, #tpu.memory_space<vmem>>
          %dma_start3A_834 = arith.constant 0 : i32
          %dma_start3A_835 = tpu.memref_slice %arg2[%multiple_of3A_828, %dma_start3A_834] : memref<16384x128xi32, #tpu.memory_space<hbm>> -> memref<128x128xi32, #tpu.memory_space<hbm>>
          %dma_start3A_836 = arith.constant 0 : i32
          %dma_start3A_837 = arith.constant 0 : i32
          %dma_start3A_838 = tpu.memref_slice %arg5[%rem3A_826, %dma_start3A_836, %dma_start3A_837] : memref<2x128x128xi32, #tpu.memory_space<vmem>> -> memref<1x128x128xi32, #tpu.memory_space<vmem>>
          %dma_start3A_839 = tpu.memref_squeeze %dma_start3A_838 : memref<1x128x128xi32, #tpu.memory_space<vmem>> -> memref<128x128xi32, #tpu.memory_space<vmem>>
          %dma_start3A_840 = arith.constant 0 : i32
          %dma_start3A_841 = tpu.memref_slice %arg2[%multiple_of3A_828, %dma_start3A_840] : memref<16384x128xi32, #tpu.memory_space<hbm>> -> memref<128x128xi32, #tpu.memory_space<hbm>>
          tpu.enqueue_dma source(%dma_start3A_841 : memref<128x128xi32, #tpu.memory_space<hbm>>) target(%dma_start3A_839 : memref<128x128xi32, #tpu.memory_space<vmem>>) target_semaphore(%run_scoped3A_829 : memref<!tpu.dma_semaphore, #tpu.memory_space<semaphore_mem>>)
          %dma_wait3A_842 = arith.constant 0 : i32
          %dma_wait3A_843 = arith.constant 0 : i32
          %dma_wait3A_844 = tpu.memref_slice %arg5[%rem3A_826, %dma_wait3A_842, %dma_wait3A_843] : memref<2x128x128xi32, #tpu.memory_space<vmem>> -> memref<1x128x128xi32, #tpu.memory_space<vmem>>
          %dma_wait3A_845 = tpu.memref_squeeze %dma_wait3A_844 : memref<1x128x128xi32, #tpu.memory_space<vmem>> -> memref<128x128xi32, #tpu.memory_space<vmem>>
          %dma_wait3A_846 = arith.constant 0 : i32
          %dma_wait3A_847 = tpu.memref_slice %arg2[%multiple_of3A_828, %dma_wait3A_846] : memref<16384x128xi32, #tpu.memory_space<hbm>> -> memref<128x128xi32, #tpu.memory_space<hbm>>
          %dma_wait3A_848 = arith.constant 0 : i32
          %dma_wait3A_849 = arith.constant 0 : i32
          %dma_wait3A_850 = tpu.memref_slice %arg5[%rem3A_826, %dma_wait3A_848, %dma_wait3A_849] : memref<2x128x128xi32, #tpu.memory_space<vmem>> -> memref<1x128x128xi32, #tpu.memory_space<vmem>>
          %dma_wait3A_851 = tpu.memref_squeeze %dma_wait3A_850 : memref<1x128x128xi32, #tpu.memory_space<vmem>> -> memref<128x128xi32, #tpu.memory_space<vmem>>
          %dma_wait3A_852 = arith.constant 0 : i32
          %dma_wait3A_853 = tpu.memref_slice %arg2[%multiple_of3A_828, %dma_wait3A_852] : memref<16384x128xi32, #tpu.memory_space<hbm>> -> memref<128x128xi32, #tpu.memory_space<hbm>>
          tpu.wait_dma2 semaphore(%run_scoped3A_829 : memref<!tpu.dma_semaphore, #tpu.memory_space<semaphore_mem>>) src(%dma_wait3A_853 : memref<128x128xi32, #tpu.memory_space<hbm>>) dst(%dma_wait3A_851 : memref<128x128xi32, #tpu.memory_space<vmem>>)
          tpu.yield
        }) : () -> ()
      } else {
      }
      %ge3A_483 = arith.constant 1 : i32
      %ge3A_484 = arith.cmpi sge, %add3A_468, %ge3A_483 : i32
      %convert_element_type3A_485 = arith.extui %ge3A_484 : i1 to i32
      %cond3A_486 = arith.constant 0 : i32
      %cond3A_487 = arith.cmpi ne, %convert_element_type3A_485, %cond3A_486 : i32
      scf.if %cond3A_487 {
        %sub3A_795 = arith.constant 1 : i32
        %sub3A_796 = arith.subi %add3A_468, %sub3A_795 : i32
        %mul3A_797 = arith.constant 4 : i32
        %mul3A_798 = arith.muli %sub3A_796, %mul3A_797 : i32
        %add3A_799 = arith.constant 0 : i32
        %add3A_800 = arith.addi %mul3A_798, %add3A_799 : i32
        %mul3A_801 = arith.constant 1 : i32
        %mul3A_802 = arith.muli %add3A_800, %mul3A_801 : i32
        %add3A_803 = arith.addi %mul3A_2, %mul3A_802 : i32
        %mul3A_804 = arith.constant 56 : i32
        %mul3A_805 = arith.muli %add3A_803, %mul3A_804 : i32
        %multiple_of3A_806 = tpu.assume_multiple %mul3A_805, 8 : i32
        %dma_wait3A_807 = arith.constant 0 : i32
        %dma_wait3A_808 = arith.constant 0 : i32
        %dma_wait3A_809 = arith.constant 0 : i32
        %dma_wait3A_810 = tpu.memref_slice %arg6[%dma_wait3A_807, %dma_wait3A_808, %dma_wait3A_809] : memref<8x56x128xf32, #tpu.memory_space<vmem>> -> memref<1x56x128xf32, #tpu.memory_space<vmem>>
        %dma_wait3A_811 = tpu.memref_squeeze %dma_wait3A_810 : memref<1x56x128xf32, #tpu.memory_space<vmem>> -> memref<56x128xf32, #tpu.memory_space<vmem>>
        %dma_wait3A_812 = arith.constant 0 : i32
        %dma_wait3A_813 = tpu.memref_slice %arg4[%multiple_of3A_806, %dma_wait3A_812] : memref<917504x128xf32, #tpu.memory_space<hbm>> -> memref<56x128xf32, #tpu.memory_space<hbm>>
        %dma_wait3A_814 = arith.constant 0 : i32
        %dma_wait3A_815 = tpu.memref_slice %arg4[%multiple_of3A_806, %dma_wait3A_814] : memref<917504x128xf32, #tpu.memory_space<hbm>> -> memref<56x128xf32, #tpu.memory_space<hbm>>
        %dma_wait3A_816 = arith.constant 0 : i32
        %dma_wait3A_817 = arith.constant 0 : i32
        %dma_wait3A_818 = tpu.memref_slice %arg6[%dma_wait3A_807, %dma_wait3A_816, %dma_wait3A_817] : memref<8x56x128xf32, #tpu.memory_space<vmem>> -> memref<1x56x128xf32, #tpu.memory_space<vmem>>
        %dma_wait3A_819 = tpu.memref_squeeze %dma_wait3A_818 : memref<1x56x128xf32, #tpu.memory_space<vmem>> -> memref<56x128xf32, #tpu.memory_space<vmem>>
        tpu.wait_dma2 semaphore(%arg15 : memref<!tpu.dma_semaphore, #tpu.memory_space<semaphore_mem>>) src(%dma_wait3A_819 : memref<56x128xf32, #tpu.memory_space<vmem>>) dst(%dma_wait3A_815 : memref<56x128xf32, #tpu.memory_space<hbm>>)
      } else {
      }
      %add3A_488 = arith.constant 1 : i32
      %add3A_489 = arith.addi %add3A_468, %add3A_488 : i32
      %lt3A_490 = arith.constant 128 : i32
      %lt3A_491 = arith.cmpi slt, %add3A_489, %lt3A_490 : i32
      %convert_element_type3A_492 = arith.extui %lt3A_491 : i1 to i32
      %cond3A_493 = arith.constant 0 : i32
      %cond3A_494 = arith.cmpi ne, %convert_element_type3A_492, %cond3A_493 : i32
      scf.if %cond3A_494 {
        %add3A_795 = arith.constant 1 : i32
        %add3A_796 = arith.addi %add3A_468, %add3A_795 : i32
        %mul3A_797 = arith.constant 4 : i32
        %mul3A_798 = arith.muli %add3A_796, %mul3A_797 : i32
        %add3A_799 = arith.constant 0 : i32
        %add3A_800 = arith.addi %mul3A_798, %add3A_799 : i32
        %rem3A_801 = arith.constant 128 : i32
        %rem3A_802 = arith.remsi %add3A_800, %rem3A_801 : i32
        %jit3A_803 = arith.constant 128 : i32
        %div3A_804 = arith.divsi %add3A_800, %jit3A_803 : i32
        %sign3A_805 = arith.constant 0 : i32
        %sign3A_806 = arith.cmpi sgt, %add3A_800, %sign3A_805 : i32
        %sign3A_807 = arith.extui %sign3A_806 : i1 to i32
        %sign3A_808 = arith.constant 0 : i32
        %sign3A_809 = arith.cmpi slt, %add3A_800, %sign3A_808 : i32
        %sign3A_810 = arith.extui %sign3A_809 : i1 to i32
        %sign3A_811 = arith.subi %sign3A_807, %sign3A_810 : i32
        %sign3A_812 = arith.constant 0 : i32
        %sign3A_813 = arith.cmpi sgt, %jit3A_803, %sign3A_812 : i32
        %sign3A_814 = arith.extui %sign3A_813 : i1 to i32
        %sign3A_815 = arith.constant 0 : i32
        %sign3A_816 = arith.cmpi slt, %jit3A_803, %sign3A_815 : i32
        %sign3A_817 = arith.extui %sign3A_816 : i1 to i32
        %sign3A_818 = arith.subi %sign3A_814, %sign3A_817 : i32
        %ne3A_819 = arith.cmpi ne, %sign3A_811, %sign3A_818 : i32
        %rem3A_820 = arith.remsi %add3A_800, %jit3A_803 : i32
        %ne3A_821 = arith.constant 0 : i32
        %ne3A_822 = arith.cmpi ne, %rem3A_820, %ne3A_821 : i32
        %and3A_823 = arith.andi %ne3A_819, %ne3A_822 : i1
        %sub3A_824 = arith.constant 1 : i32
        %sub3A_825 = arith.subi %div3A_804, %sub3A_824 : i32
        %select_n3A_826 = arith.select %and3A_823, %sub3A_825, %div3A_804 : i32
        %rem3A_827 = arith.constant 2 : i32
        %rem3A_828 = arith.remsi %select_n3A_826, %rem3A_827 : i32
        %dma_start3A_829 = arith.constant 0 : i32
        %dma_start3A_830 = arith.constant 0 : i32
        %dma_start3A_831 = arith.constant 0 : i32
        %dma_start3A_832 = tpu.memref_slice %arg6[%dma_start3A_829, %dma_start3A_830, %dma_start3A_831] : memref<8x56x128xf32, #tpu.memory_space<vmem>> -> memref<1x56x128xf32, #tpu.memory_space<vmem>>
        %dma_start3A_833 = tpu.memref_squeeze %dma_start3A_832 : memref<1x56x128xf32, #tpu.memory_space<vmem>> -> memref<56x128xf32, #tpu.memory_space<vmem>>
        %dma_start3A_834 = arith.constant 0 : i32
        %dma_start3A_835 = tpu.memref_slice %arg5[%rem3A_828, %rem3A_802, %dma_start3A_834] : memref<2x128x128xi32, #tpu.memory_space<vmem>> -> memref<1x1x56xi32, #tpu.memory_space<vmem>>
        %dma_start3A_836 = tpu.memref_squeeze %dma_start3A_835 : memref<1x1x56xi32, #tpu.memory_space<vmem>> -> memref<56xi32, #tpu.memory_space<vmem>>
        %dma_start3A_837 = arith.constant 0 : i32
        %dma_start3A_838 = arith.constant 0 : i32
        %dma_start3A_839 = tpu.memref_slice %arg3[%dma_start3A_837, %dma_start3A_838] : memref<1000000x128xf32, #tpu.memory_space<hbm>> -> memref<1000000x128xf32, #tpu.memory_space<hbm>>
        tpu.enqueue_indirect_dma source(%dma_start3A_839 : memref<1000000x128xf32, #tpu.memory_space<hbm>>) target(%dma_start3A_833 : memref<56x128xf32, #tpu.memory_space<vmem>>) offsets(%dma_start3A_836 : memref<56xi32, #tpu.memory_space<vmem>>) semaphore(%arg7 : memref<!tpu.dma_semaphore, #tpu.memory_space<semaphore_mem>>)
      } else {
      }
      %ge3A_495 = arith.constant 1 : i32
      %ge3A_496 = arith.cmpi sge, %add3A_468, %ge3A_495 : i32
      %convert_element_type3A_497 = arith.extui %ge3A_496 : i1 to i32
      %cond3A_498 = arith.constant 0 : i32
      %cond3A_499 = arith.cmpi ne, %convert_element_type3A_497, %cond3A_498 : i32
      scf.if %cond3A_499 {
        %sub3A_795 = arith.constant 1 : i32
        %sub3A_796 = arith.subi %add3A_468, %sub3A_795 : i32
        %mul3A_797 = arith.constant 4 : i32
        %mul3A_798 = arith.muli %sub3A_796, %mul3A_797 : i32
        %add3A_799 = arith.constant 1 : i32
        %add3A_800 = arith.addi %mul3A_798, %add3A_799 : i32
        %mul3A_801 = arith.constant 1 : i32
        %mul3A_802 = arith.muli %add3A_800, %mul3A_801 : i32
        %add3A_803 = arith.addi %mul3A_2, %mul3A_802 : i32
        %mul3A_804 = arith.constant 56 : i32
        %mul3A_805 = arith.muli %add3A_803, %mul3A_804 : i32
        %multiple_of3A_806 = tpu.assume_multiple %mul3A_805, 8 : i32
        %dma_wait3A_807 = arith.constant 1 : i32
        %dma_wait3A_808 = arith.constant 0 : i32
        %dma_wait3A_809 = arith.constant 0 : i32
        %dma_wait3A_810 = tpu.memref_slice %arg6[%dma_wait3A_807, %dma_wait3A_808, %dma_wait3A_809] : memref<8x56x128xf32, #tpu.memory_space<vmem>> -> memref<1x56x128xf32, #tpu.memory_space<vmem>>
        %dma_wait3A_811 = tpu.memref_squeeze %dma_wait3A_810 : memref<1x56x128xf32, #tpu.memory_space<vmem>> -> memref<56x128xf32, #tpu.memory_space<vmem>>
        %dma_wait3A_812 = arith.constant 0 : i32
        %dma_wait3A_813 = tpu.memref_slice %arg4[%multiple_of3A_806, %dma_wait3A_812] : memref<917504x128xf32, #tpu.memory_space<hbm>> -> memref<56x128xf32, #tpu.memory_space<hbm>>
        %dma_wait3A_814 = arith.constant 0 : i32
        %dma_wait3A_815 = tpu.memref_slice %arg4[%multiple_of3A_806, %dma_wait3A_814] : memref<917504x128xf32, #tpu.memory_space<hbm>> -> memref<56x128xf32, #tpu.memory_space<hbm>>
        %dma_wait3A_816 = arith.constant 0 : i32
        %dma_wait3A_817 = arith.constant 0 : i32
        %dma_wait3A_818 = tpu.memref_slice %arg6[%dma_wait3A_807, %dma_wait3A_816, %dma_wait3A_817] : memref<8x56x128xf32, #tpu.memory_space<vmem>> -> memref<1x56x128xf32, #tpu.memory_space<vmem>>
        %dma_wait3A_819 = tpu.memref_squeeze %dma_wait3A_818 : memref<1x56x128xf32, #tpu.memory_space<vmem>> -> memref<56x128xf32, #tpu.memory_space<vmem>>
        tpu.wait_dma2 semaphore(%arg16 : memref<!tpu.dma_semaphore, #tpu.memory_space<semaphore_mem>>) src(%dma_wait3A_819 : memref<56x128xf32, #tpu.memory_space<vmem>>) dst(%dma_wait3A_815 : memref<56x128xf32, #tpu.memory_space<hbm>>)
      } else {
      }
      %add3A_500 = arith.constant 1 : i32
      %add3A_501 = arith.addi %add3A_468, %add3A_500 : i32
      %lt3A_502 = arith.constant 128 : i32
      %lt3A_503 = arith.cmpi slt, %add3A_501, %lt3A_502 : i32
      %convert_element_type3A_504 = arith.extui %lt3A_503 : i1 to i32
      %cond3A_505 = arith.constant 0 : i32
      %cond3A_506 = arith.cmpi ne, %convert_element_type3A_504, %cond3A_505 : i32
      scf.if %cond3A_506 {
        %add3A_795 = arith.constant 1 : i32
        %add3A_796 = arith.addi %add3A_468, %add3A_795 : i32
        %mul3A_797 = arith.constant 4 : i32
        %mul3A_798 = arith.muli %add3A_796, %mul3A_797 : i32
        %add3A_799 = arith.constant 1 : i32
        %add3A_800 = arith.addi %mul3A_798, %add3A_799 : i32
        %rem3A_801 = arith.constant 128 : i32
        %rem3A_802 = arith.remsi %add3A_800, %rem3A_801 : i32
        %jit3A_803 = arith.constant 128 : i32
        %div3A_804 = arith.divsi %add3A_800, %jit3A_803 : i32
        %sign3A_805 = arith.constant 0 : i32
        %sign3A_806 = arith.cmpi sgt, %add3A_800, %sign3A_805 : i32
        %sign3A_807 = arith.extui %sign3A_806 : i1 to i32
        %sign3A_808 = arith.constant 0 : i32
        %sign3A_809 = arith.cmpi slt, %add3A_800, %sign3A_808 : i32
        %sign3A_810 = arith.extui %sign3A_809 : i1 to i32
        %sign3A_811 = arith.subi %sign3A_807, %sign3A_810 : i32
        %sign3A_812 = arith.constant 0 : i32
        %sign3A_813 = arith.cmpi sgt, %jit3A_803, %sign3A_812 : i32
        %sign3A_814 = arith.extui %sign3A_813 : i1 to i32
        %sign3A_815 = arith.constant 0 : i32
        %sign3A_816 = arith.cmpi slt, %jit3A_803, %sign3A_815 : i32
        %sign3A_817 = arith.extui %sign3A_816 : i1 to i32
        %sign3A_818 = arith.subi %sign3A_814, %sign3A_817 : i32
        %ne3A_819 = arith.cmpi ne, %sign3A_811, %sign3A_818 : i32
        %rem3A_820 = arith.remsi %add3A_800, %jit3A_803 : i32
        %ne3A_821 = arith.constant 0 : i32
        %ne3A_822 = arith.cmpi ne, %rem3A_820, %ne3A_821 : i32
        %and3A_823 = arith.andi %ne3A_819, %ne3A_822 : i1
        %sub3A_824 = arith.constant 1 : i32
        %sub3A_825 = arith.subi %div3A_804, %sub3A_824 : i32
        %select_n3A_826 = arith.select %and3A_823, %sub3A_825, %div3A_804 : i32
        %rem3A_827 = arith.constant 2 : i32
        %rem3A_828 = arith.remsi %select_n3A_826, %rem3A_827 : i32
        %dma_start3A_829 = arith.constant 1 : i32
        %dma_start3A_830 = arith.constant 0 : i32
        %dma_start3A_831 = arith.constant 0 : i32
        %dma_start3A_832 = tpu.memref_slice %arg6[%dma_start3A_829, %dma_start3A_830, %dma_start3A_831] : memref<8x56x128xf32, #tpu.memory_space<vmem>> -> memref<1x56x128xf32, #tpu.memory_space<vmem>>
        %dma_start3A_833 = tpu.memref_squeeze %dma_start3A_832 : memref<1x56x128xf32, #tpu.memory_space<vmem>> -> memref<56x128xf32, #tpu.memory_space<vmem>>
        %dma_start3A_834 = arith.constant 0 : i32
        %dma_start3A_835 = tpu.memref_slice %arg5[%rem3A_828, %rem3A_802, %dma_start3A_834] : memref<2x128x128xi32, #tpu.memory_space<vmem>> -> memref<1x1x56xi32, #tpu.memory_space<vmem>>
        %dma_start3A_836 = tpu.memref_squeeze %dma_start3A_835 : memref<1x1x56xi32, #tpu.memory_space<vmem>> -> memref<56xi32, #tpu.memory_space<vmem>>
        %dma_start3A_837 = arith.constant 0 : i32
        %dma_start3A_838 = arith.constant 0 : i32
        %dma_start3A_839 = tpu.memref_slice %arg3[%dma_start3A_837, %dma_start3A_838] : memref<1000000x128xf32, #tpu.memory_space<hbm>> -> memref<1000000x128xf32, #tpu.memory_space<hbm>>
        tpu.enqueue_indirect_dma source(%dma_start3A_839 : memref<1000000x128xf32, #tpu.memory_space<hbm>>) target(%dma_start3A_833 : memref<56x128xf32, #tpu.memory_space<vmem>>) offsets(%dma_start3A_836 : memref<56xi32, #tpu.memory_space<vmem>>) semaphore(%arg8 : memref<!tpu.dma_semaphore, #tpu.memory_space<semaphore_mem>>)
      } else {
      }
      %ge3A_507 = arith.constant 1 : i32
      %ge3A_508 = arith.cmpi sge, %add3A_468, %ge3A_507 : i32
      %convert_element_type3A_509 = arith.extui %ge3A_508 : i1 to i32
      %cond3A_510 = arith.constant 0 : i32
      %cond3A_511 = arith.cmpi ne, %convert_element_type3A_509, %cond3A_510 : i32
      scf.if %cond3A_511 {
        %sub3A_795 = arith.constant 1 : i32
        %sub3A_796 = arith.subi %add3A_468, %sub3A_795 : i32
        %mul3A_797 = arith.constant 4 : i32
        %mul3A_798 = arith.muli %sub3A_796, %mul3A_797 : i32
        %add3A_799 = arith.constant 2 : i32
        %add3A_800 = arith.addi %mul3A_798, %add3A_799 : i32
        %mul3A_801 = arith.constant 1 : i32
        %mul3A_802 = arith.muli %add3A_800, %mul3A_801 : i32
        %add3A_803 = arith.addi %mul3A_2, %mul3A_802 : i32
        %mul3A_804 = arith.constant 56 : i32
        %mul3A_805 = arith.muli %add3A_803, %mul3A_804 : i32
        %multiple_of3A_806 = tpu.assume_multiple %mul3A_805, 8 : i32
        %dma_wait3A_807 = arith.constant 2 : i32
        %dma_wait3A_808 = arith.constant 0 : i32
        %dma_wait3A_809 = arith.constant 0 : i32
        %dma_wait3A_810 = tpu.memref_slice %arg6[%dma_wait3A_807, %dma_wait3A_808, %dma_wait3A_809] : memref<8x56x128xf32, #tpu.memory_space<vmem>> -> memref<1x56x128xf32, #tpu.memory_space<vmem>>
        %dma_wait3A_811 = tpu.memref_squeeze %dma_wait3A_810 : memref<1x56x128xf32, #tpu.memory_space<vmem>> -> memref<56x128xf32, #tpu.memory_space<vmem>>
        %dma_wait3A_812 = arith.constant 0 : i32
        %dma_wait3A_813 = tpu.memref_slice %arg4[%multiple_of3A_806, %dma_wait3A_812] : memref<917504x128xf32, #tpu.memory_space<hbm>> -> memref<56x128xf32, #tpu.memory_space<hbm>>
        %dma_wait3A_814 = arith.constant 0 : i32
        %dma_wait3A_815 = tpu.memref_slice %arg4[%multiple_of3A_806, %dma_wait3A_814] : memref<917504x128xf32, #tpu.memory_space<hbm>> -> memref<56x128xf32, #tpu.memory_space<hbm>>
        %dma_wait3A_816 = arith.constant 0 : i32
        %dma_wait3A_817 = arith.constant 0 : i32
        %dma_wait3A_818 = tpu.memref_slice %arg6[%dma_wait3A_807, %dma_wait3A_816, %dma_wait3A_817] : memref<8x56x128xf32, #tpu.memory_space<vmem>> -> memref<1x56x128xf32, #tpu.memory_space<vmem>>
        %dma_wait3A_819 = tpu.memref_squeeze %dma_wait3A_818 : memref<1x56x128xf32, #tpu.memory_space<vmem>> -> memref<56x128xf32, #tpu.memory_space<vmem>>
        tpu.wait_dma2 semaphore(%arg17 : memref<!tpu.dma_semaphore, #tpu.memory_space<semaphore_mem>>) src(%dma_wait3A_819 : memref<56x128xf32, #tpu.memory_space<vmem>>) dst(%dma_wait3A_815 : memref<56x128xf32, #tpu.memory_space<hbm>>)
      } else {
      }
      %add3A_512 = arith.constant 1 : i32
      %add3A_513 = arith.addi %add3A_468, %add3A_512 : i32
      %lt3A_514 = arith.constant 128 : i32
      %lt3A_515 = arith.cmpi slt, %add3A_513, %lt3A_514 : i32
      %convert_element_type3A_516 = arith.extui %lt3A_515 : i1 to i32
      %cond3A_517 = arith.constant 0 : i32
      %cond3A_518 = arith.cmpi ne, %convert_element_type3A_516, %cond3A_517 : i32
      scf.if %cond3A_518 {
        %add3A_795 = arith.constant 1 : i32
        %add3A_796 = arith.addi %add3A_468, %add3A_795 : i32
        %mul3A_797 = arith.constant 4 : i32
        %mul3A_798 = arith.muli %add3A_796, %mul3A_797 : i32
        %add3A_799 = arith.constant 2 : i32
        %add3A_800 = arith.addi %mul3A_798, %add3A_799 : i32
        %rem3A_801 = arith.constant 128 : i32
        %rem3A_802 = arith.remsi %add3A_800, %rem3A_801 : i32
        %jit3A_803 = arith.constant 128 : i32
        %div3A_804 = arith.divsi %add3A_800, %jit3A_803 : i32
        %sign3A_805 = arith.constant 0 : i32
        %sign3A_806 = arith.cmpi sgt, %add3A_800, %sign3A_805 : i32
        %sign3A_807 = arith.extui %sign3A_806 : i1 to i32
        %sign3A_808 = arith.constant 0 : i32
        %sign3A_809 = arith.cmpi slt, %add3A_800, %sign3A_808 : i32
        %sign3A_810 = arith.extui %sign3A_809 : i1 to i32
        %sign3A_811 = arith.subi %sign3A_807, %sign3A_810 : i32
        %sign3A_812 = arith.constant 0 : i32
        %sign3A_813 = arith.cmpi sgt, %jit3A_803, %sign3A_812 : i32
        %sign3A_814 = arith.extui %sign3A_813 : i1 to i32
        %sign3A_815 = arith.constant 0 : i32
        %sign3A_816 = arith.cmpi slt, %jit3A_803, %sign3A_815 : i32
        %sign3A_817 = arith.extui %sign3A_816 : i1 to i32
        %sign3A_818 = arith.subi %sign3A_814, %sign3A_817 : i32
        %ne3A_819 = arith.cmpi ne, %sign3A_811, %sign3A_818 : i32
        %rem3A_820 = arith.remsi %add3A_800, %jit3A_803 : i32
        %ne3A_821 = arith.constant 0 : i32
        %ne3A_822 = arith.cmpi ne, %rem3A_820, %ne3A_821 : i32
        %and3A_823 = arith.andi %ne3A_819, %ne3A_822 : i1
        %sub3A_824 = arith.constant 1 : i32
        %sub3A_825 = arith.subi %div3A_804, %sub3A_824 : i32
        %select_n3A_826 = arith.select %and3A_823, %sub3A_825, %div3A_804 : i32
        %rem3A_827 = arith.constant 2 : i32
        %rem3A_828 = arith.remsi %select_n3A_826, %rem3A_827 : i32
        %dma_start3A_829 = arith.constant 2 : i32
        %dma_start3A_830 = arith.constant 0 : i32
        %dma_start3A_831 = arith.constant 0 : i32
        %dma_start3A_832 = tpu.memref_slice %arg6[%dma_start3A_829, %dma_start3A_830, %dma_start3A_831] : memref<8x56x128xf32, #tpu.memory_space<vmem>> -> memref<1x56x128xf32, #tpu.memory_space<vmem>>
        %dma_start3A_833 = tpu.memref_squeeze %dma_start3A_832 : memref<1x56x128xf32, #tpu.memory_space<vmem>> -> memref<56x128xf32, #tpu.memory_space<vmem>>
        %dma_start3A_834 = arith.constant 0 : i32
        %dma_start3A_835 = tpu.memref_slice %arg5[%rem3A_828, %rem3A_802, %dma_start3A_834] : memref<2x128x128xi32, #tpu.memory_space<vmem>> -> memref<1x1x56xi32, #tpu.memory_space<vmem>>
        %dma_start3A_836 = tpu.memref_squeeze %dma_start3A_835 : memref<1x1x56xi32, #tpu.memory_space<vmem>> -> memref<56xi32, #tpu.memory_space<vmem>>
        %dma_start3A_837 = arith.constant 0 : i32
        %dma_start3A_838 = arith.constant 0 : i32
        %dma_start3A_839 = tpu.memref_slice %arg3[%dma_start3A_837, %dma_start3A_838] : memref<1000000x128xf32, #tpu.memory_space<hbm>> -> memref<1000000x128xf32, #tpu.memory_space<hbm>>
        tpu.enqueue_indirect_dma source(%dma_start3A_839 : memref<1000000x128xf32, #tpu.memory_space<hbm>>) target(%dma_start3A_833 : memref<56x128xf32, #tpu.memory_space<vmem>>) offsets(%dma_start3A_836 : memref<56xi32, #tpu.memory_space<vmem>>) semaphore(%arg9 : memref<!tpu.dma_semaphore, #tpu.memory_space<semaphore_mem>>)
      } else {
      }
      %ge3A_519 = arith.constant 1 : i32
      %ge3A_520 = arith.cmpi sge, %add3A_468, %ge3A_519 : i32
      %convert_element_type3A_521 = arith.extui %ge3A_520 : i1 to i32
      %cond3A_522 = arith.constant 0 : i32
      %cond3A_523 = arith.cmpi ne, %convert_element_type3A_521, %cond3A_522 : i32
      scf.if %cond3A_523 {
        %sub3A_795 = arith.constant 1 : i32
        %sub3A_796 = arith.subi %add3A_468, %sub3A_795 : i32
        %mul3A_797 = arith.constant 4 : i32
        %mul3A_798 = arith.muli %sub3A_796, %mul3A_797 : i32
        %add3A_799 = arith.constant 3 : i32
        %add3A_800 = arith.addi %mul3A_798, %add3A_799 : i32
        %mul3A_801 = arith.constant 1 : i32
        %mul3A_802 = arith.muli %add3A_800, %mul3A_801 : i32
        %add3A_803 = arith.addi %mul3A_2, %mul3A_802 : i32
        %mul3A_804 = arith.constant 56 : i32
        %mul3A_805 = arith.muli %add3A_803, %mul3A_804 : i32
        %multiple_of3A_806 = tpu.assume_multiple %mul3A_805, 8 : i32
        %dma_wait3A_807 = arith.constant 3 : i32
        %dma_wait3A_808 = arith.constant 0 : i32
        %dma_wait3A_809 = arith.constant 0 : i32
        %dma_wait3A_810 = tpu.memref_slice %arg6[%dma_wait3A_807, %dma_wait3A_808, %dma_wait3A_809] : memref<8x56x128xf32, #tpu.memory_space<vmem>> -> memref<1x56x128xf32, #tpu.memory_space<vmem>>
        %dma_wait3A_811 = tpu.memref_squeeze %dma_wait3A_810 : memref<1x56x128xf32, #tpu.memory_space<vmem>> -> memref<56x128xf32, #tpu.memory_space<vmem>>
        %dma_wait3A_812 = arith.constant 0 : i32
        %dma_wait3A_813 = tpu.memref_slice %arg4[%multiple_of3A_806, %dma_wait3A_812] : memref<917504x128xf32, #tpu.memory_space<hbm>> -> memref<56x128xf32, #tpu.memory_space<hbm>>
        %dma_wait3A_814 = arith.constant 0 : i32
        %dma_wait3A_815 = tpu.memref_slice %arg4[%multiple_of3A_806, %dma_wait3A_814] : memref<917504x128xf32, #tpu.memory_space<hbm>> -> memref<56x128xf32, #tpu.memory_space<hbm>>
        %dma_wait3A_816 = arith.constant 0 : i32
        %dma_wait3A_817 = arith.constant 0 : i32
        %dma_wait3A_818 = tpu.memref_slice %arg6[%dma_wait3A_807, %dma_wait3A_816, %dma_wait3A_817] : memref<8x56x128xf32, #tpu.memory_space<vmem>> -> memref<1x56x128xf32, #tpu.memory_space<vmem>>
        %dma_wait3A_819 = tpu.memref_squeeze %dma_wait3A_818 : memref<1x56x128xf32, #tpu.memory_space<vmem>> -> memref<56x128xf32, #tpu.memory_space<vmem>>
        tpu.wait_dma2 semaphore(%arg18 : memref<!tpu.dma_semaphore, #tpu.memory_space<semaphore_mem>>) src(%dma_wait3A_819 : memref<56x128xf32, #tpu.memory_space<vmem>>) dst(%dma_wait3A_815 : memref<56x128xf32, #tpu.memory_space<hbm>>)
      } else {
      }
      %add3A_524 = arith.constant 1 : i32
      %add3A_525 = arith.addi %add3A_468, %add3A_524 : i32
      %lt3A_526 = arith.constant 128 : i32
      %lt3A_527 = arith.cmpi slt, %add3A_525, %lt3A_526 : i32
      %convert_element_type3A_528 = arith.extui %lt3A_527 : i1 to i32
      %cond3A_529 = arith.constant 0 : i32
      %cond3A_530 = arith.cmpi ne, %convert_element_type3A_528, %cond3A_529 : i32
      scf.if %cond3A_530 {
        %add3A_795 = arith.constant 1 : i32
        %add3A_796 = arith.addi %add3A_468, %add3A_795 : i32
        %mul3A_797 = arith.constant 4 : i32
        %mul3A_798 = arith.muli %add3A_796, %mul3A_797 : i32
        %add3A_799 = arith.constant 3 : i32
        %add3A_800 = arith.addi %mul3A_798, %add3A_799 : i32
        %rem3A_801 = arith.constant 128 : i32
        %rem3A_802 = arith.remsi %add3A_800, %rem3A_801 : i32
        %jit3A_803 = arith.constant 128 : i32
        %div3A_804 = arith.divsi %add3A_800, %jit3A_803 : i32
        %sign3A_805 = arith.constant 0 : i32
        %sign3A_806 = arith.cmpi sgt, %add3A_800, %sign3A_805 : i32
        %sign3A_807 = arith.extui %sign3A_806 : i1 to i32
        %sign3A_808 = arith.constant 0 : i32
        %sign3A_809 = arith.cmpi slt, %add3A_800, %sign3A_808 : i32
        %sign3A_810 = arith.extui %sign3A_809 : i1 to i32
        %sign3A_811 = arith.subi %sign3A_807, %sign3A_810 : i32
        %sign3A_812 = arith.constant 0 : i32
        %sign3A_813 = arith.cmpi sgt, %jit3A_803, %sign3A_812 : i32
        %sign3A_814 = arith.extui %sign3A_813 : i1 to i32
        %sign3A_815 = arith.constant 0 : i32
        %sign3A_816 = arith.cmpi slt, %jit3A_803, %sign3A_815 : i32
        %sign3A_817 = arith.extui %sign3A_816 : i1 to i32
        %sign3A_818 = arith.subi %sign3A_814, %sign3A_817 : i32
        %ne3A_819 = arith.cmpi ne, %sign3A_811, %sign3A_818 : i32
        %rem3A_820 = arith.remsi %add3A_800, %jit3A_803 : i32
        %ne3A_821 = arith.constant 0 : i32
        %ne3A_822 = arith.cmpi ne, %rem3A_820, %ne3A_821 : i32
        %and3A_823 = arith.andi %ne3A_819, %ne3A_822 : i1
        %sub3A_824 = arith.constant 1 : i32
        %sub3A_825 = arith.subi %div3A_804, %sub3A_824 : i32
        %select_n3A_826 = arith.select %and3A_823, %sub3A_825, %div3A_804 : i32
        %rem3A_827 = arith.constant 2 : i32
        %rem3A_828 = arith.remsi %select_n3A_826, %rem3A_827 : i32
        %dma_start3A_829 = arith.constant 3 : i32
        %dma_start3A_830 = arith.constant 0 : i32
        %dma_start3A_831 = arith.constant 0 : i32
        %dma_start3A_832 = tpu.memref_slice %arg6[%dma_start3A_829, %dma_start3A_830, %dma_start3A_831] : memref<8x56x128xf32, #tpu.memory_space<vmem>> -> memref<1x56x128xf32, #tpu.memory_space<vmem>>
        %dma_start3A_833 = tpu.memref_squeeze %dma_start3A_832 : memref<1x56x128xf32, #tpu.memory_space<vmem>> -> memref<56x128xf32, #tpu.memory_space<vmem>>
        %dma_start3A_834 = arith.constant 0 : i32
        %dma_start3A_835 = tpu.memref_slice %arg5[%rem3A_828, %rem3A_802, %dma_start3A_834] : memref<2x128x128xi32, #tpu.memory_space<vmem>> -> memref<1x1x56xi32, #tpu.memory_space<vmem>>
        %dma_start3A_836 = tpu.memref_squeeze %dma_start3A_835 : memref<1x1x56xi32, #tpu.memory_space<vmem>> -> memref<56xi32, #tpu.memory_space<vmem>>
        %dma_start3A_837 = arith.constant 0 : i32
        %dma_start3A_838 = arith.constant 0 : i32
        %dma_start3A_839 = tpu.memref_slice %arg3[%dma_start3A_837, %dma_start3A_838] : memref<1000000x128xf32, #tpu.memory_space<hbm>> -> memref<1000000x128xf32, #tpu.memory_space<hbm>>
        tpu.enqueue_indirect_dma source(%dma_start3A_839 : memref<1000000x128xf32, #tpu.memory_space<hbm>>) target(%dma_start3A_833 : memref<56x128xf32, #tpu.memory_space<vmem>>) offsets(%dma_start3A_836 : memref<56xi32, #tpu.memory_space<vmem>>) semaphore(%arg10 : memref<!tpu.dma_semaphore, #tpu.memory_space<semaphore_mem>>)
      } else {
      }
      %mul3A_531 = arith.constant 4 : i32
      %mul3A_532 = arith.muli %add3A_468, %mul3A_531 : i32
      %add3A_533 = arith.constant 0 : i32
      %add3A_534 = arith.addi %mul3A_532, %add3A_533 : i32
      %rem3A_535 = arith.constant 128 : i32
      %rem3A_536 = arith.remsi %add3A_534, %rem3A_535 : i32
      %jit3A_537 = arith.constant 128 : i32
      %div3A_538 = arith.divsi %add3A_534, %jit3A_537 : i32
      %sign3A_539 = arith.constant 0 : i32
      %sign3A_540 = arith.cmpi sgt, %add3A_534, %sign3A_539 : i32
      %sign3A_541 = arith.extui %sign3A_540 : i1 to i32
      %sign3A_542 = arith.constant 0 : i32
      %sign3A_543 = arith.cmpi slt, %add3A_534, %sign3A_542 : i32
      %sign3A_544 = arith.extui %sign3A_543 : i1 to i32
      %sign3A_545 = arith.subi %sign3A_541, %sign3A_544 : i32
      %sign3A_546 = arith.constant 0 : i32
      %sign3A_547 = arith.cmpi sgt, %jit3A_537, %sign3A_546 : i32
      %sign3A_548 = arith.extui %sign3A_547 : i1 to i32
      %sign3A_549 = arith.constant 0 : i32
      %sign3A_550 = arith.cmpi slt, %jit3A_537, %sign3A_549 : i32
      %sign3A_551 = arith.extui %sign3A_550 : i1 to i32
      %sign3A_552 = arith.subi %sign3A_548, %sign3A_551 : i32
      %ne3A_553 = arith.cmpi ne, %sign3A_545, %sign3A_552 : i32
      %rem3A_554 = arith.remsi %add3A_534, %jit3A_537 : i32
      %ne3A_555 = arith.constant 0 : i32
      %ne3A_556 = arith.cmpi ne, %rem3A_554, %ne3A_555 : i32
      %and3A_557 = arith.andi %ne3A_553, %ne3A_556 : i1
      %sub3A_558 = arith.constant 1 : i32
      %sub3A_559 = arith.subi %div3A_538, %sub3A_558 : i32
      %select_n3A_560 = arith.select %and3A_557, %sub3A_559, %div3A_538 : i32
      %rem3A_561 = arith.constant 2 : i32
      %rem3A_562 = arith.remsi %select_n3A_560, %rem3A_561 : i32
      %dma_wait3A_563 = arith.constant 4 : i32
      %dma_wait3A_564 = arith.constant 0 : i32
      %dma_wait3A_565 = arith.constant 0 : i32
      %dma_wait3A_566 = tpu.memref_slice %arg6[%dma_wait3A_563, %dma_wait3A_564, %dma_wait3A_565] : memref<8x56x128xf32, #tpu.memory_space<vmem>> -> memref<1x56x128xf32, #tpu.memory_space<vmem>>
      %dma_wait3A_567 = tpu.memref_squeeze %dma_wait3A_566 : memref<1x56x128xf32, #tpu.memory_space<vmem>> -> memref<56x128xf32, #tpu.memory_space<vmem>>
      %dma_wait3A_568 = arith.constant 0 : i32
      %dma_wait3A_569 = tpu.memref_slice %arg5[%rem3A_562, %rem3A_536, %dma_wait3A_568] : memref<2x128x128xi32, #tpu.memory_space<vmem>> -> memref<1x1x56xi32, #tpu.memory_space<vmem>>
      %dma_wait3A_570 = tpu.memref_squeeze %dma_wait3A_569 : memref<1x1x56xi32, #tpu.memory_space<vmem>> -> memref<56xi32, #tpu.memory_space<vmem>>
      %dma_wait3A_571 = arith.constant 0 : i32
      %dma_wait3A_572 = arith.constant 0 : i32
      %dma_wait3A_573 = tpu.memref_slice %arg3[%dma_wait3A_571, %dma_wait3A_572] : memref<1000000x128xf32, #tpu.memory_space<hbm>> -> memref<1000000x128xf32, #tpu.memory_space<hbm>>
      tpu.wait_indirect_dma semaphore(%arg11 : memref<!tpu.dma_semaphore, #tpu.memory_space<semaphore_mem>>) src(%dma_wait3A_573 : memref<1000000x128xf32, #tpu.memory_space<hbm>>) dst(%dma_wait3A_567 : memref<56x128xf32, #tpu.memory_space<vmem>>)
      %mul3A_574 = arith.constant 4 : i32
      %mul3A_575 = arith.muli %add3A_468, %mul3A_574 : i32
      %add3A_576 = arith.constant 0 : i32
      %add3A_577 = arith.addi %mul3A_575, %add3A_576 : i32
      %mul3A_578 = arith.constant 1 : i32
      %mul3A_579 = arith.muli %add3A_577, %mul3A_578 : i32
      %add3A_580 = arith.addi %mul3A_2, %mul3A_579 : i32
      %mul3A_581 = arith.constant 56 : i32
      %mul3A_582 = arith.muli %add3A_580, %mul3A_581 : i32
      %multiple_of3A_583 = tpu.assume_multiple %mul3A_582, 8 : i32
      %dma_start3A_584 = arith.constant 4 : i32
      %dma_start3A_585 = arith.constant 0 : i32
      %dma_start3A_586 = arith.constant 0 : i32
      %dma_start3A_587 = tpu.memref_slice %arg6[%dma_start3A_584, %dma_start3A_585, %dma_start3A_586] : memref<8x56x128xf32, #tpu.memory_space<vmem>> -> memref<1x56x128xf32, #tpu.memory_space<vmem>>
      %dma_start3A_588 = tpu.memref_squeeze %dma_start3A_587 : memref<1x56x128xf32, #tpu.memory_space<vmem>> -> memref<56x128xf32, #tpu.memory_space<vmem>>
      %dma_start3A_589 = arith.constant 0 : i32
      %dma_start3A_590 = tpu.memref_slice %arg4[%multiple_of3A_583, %dma_start3A_589] : memref<917504x128xf32, #tpu.memory_space<hbm>> -> memref<56x128xf32, #tpu.memory_space<hbm>>
      %dma_start3A_591 = arith.constant 0 : i32
      %dma_start3A_592 = tpu.memref_slice %arg4[%multiple_of3A_583, %dma_start3A_591] : memref<917504x128xf32, #tpu.memory_space<hbm>> -> memref<56x128xf32, #tpu.memory_space<hbm>>
      %dma_start3A_593 = arith.constant 0 : i32
      %dma_start3A_594 = arith.constant 0 : i32
      %dma_start3A_595 = tpu.memref_slice %arg6[%dma_start3A_584, %dma_start3A_593, %dma_start3A_594] : memref<8x56x128xf32, #tpu.memory_space<vmem>> -> memref<1x56x128xf32, #tpu.memory_space<vmem>>
      %dma_start3A_596 = tpu.memref_squeeze %dma_start3A_595 : memref<1x56x128xf32, #tpu.memory_space<vmem>> -> memref<56x128xf32, #tpu.memory_space<vmem>>
      tpu.enqueue_dma source(%dma_start3A_596 : memref<56x128xf32, #tpu.memory_space<vmem>>) target(%dma_start3A_592 : memref<56x128xf32, #tpu.memory_space<hbm>>) target_semaphore(%arg19 : memref<!tpu.dma_semaphore, #tpu.memory_space<semaphore_mem>>)
      %mul3A_597 = arith.constant 4 : i32
      %mul3A_598 = arith.muli %add3A_468, %mul3A_597 : i32
      %add3A_599 = arith.constant 1 : i32
      %add3A_600 = arith.addi %mul3A_598, %add3A_599 : i32
      %rem3A_601 = arith.constant 128 : i32
      %rem3A_602 = arith.remsi %add3A_600, %rem3A_601 : i32
      %jit3A_603 = arith.constant 128 : i32
      %div3A_604 = arith.divsi %add3A_600, %jit3A_603 : i32
      %sign3A_605 = arith.constant 0 : i32
      %sign3A_606 = arith.cmpi sgt, %add3A_600, %sign3A_605 : i32
      %sign3A_607 = arith.extui %sign3A_606 : i1 to i32
      %sign3A_608 = arith.constant 0 : i32
      %sign3A_609 = arith.cmpi slt, %add3A_600, %sign3A_608 : i32
      %sign3A_610 = arith.extui %sign3A_609 : i1 to i32
      %sign3A_611 = arith.subi %sign3A_607, %sign3A_610 : i32
      %sign3A_612 = arith.constant 0 : i32
      %sign3A_613 = arith.cmpi sgt, %jit3A_603, %sign3A_612 : i32
      %sign3A_614 = arith.extui %sign3A_613 : i1 to i32
      %sign3A_615 = arith.constant 0 : i32
      %sign3A_616 = arith.cmpi slt, %jit3A_603, %sign3A_615 : i32
      %sign3A_617 = arith.extui %sign3A_616 : i1 to i32
      %sign3A_618 = arith.subi %sign3A_614, %sign3A_617 : i32
      %ne3A_619 = arith.cmpi ne, %sign3A_611, %sign3A_618 : i32
      %rem3A_620 = arith.remsi %add3A_600, %jit3A_603 : i32
      %ne3A_621 = arith.constant 0 : i32
      %ne3A_622 = arith.cmpi ne, %rem3A_620, %ne3A_621 : i32
      %and3A_623 = arith.andi %ne3A_619, %ne3A_622 : i1
      %sub3A_624 = arith.constant 1 : i32
      %sub3A_625 = arith.subi %div3A_604, %sub3A_624 : i32
      %select_n3A_626 = arith.select %and3A_623, %sub3A_625, %div3A_604 : i32
      %rem3A_627 = arith.constant 2 : i32
      %rem3A_628 = arith.remsi %select_n3A_626, %rem3A_627 : i32
      %dma_wait3A_629 = arith.constant 5 : i32
      %dma_wait3A_630 = arith.constant 0 : i32
      %dma_wait3A_631 = arith.constant 0 : i32
      %dma_wait3A_632 = tpu.memref_slice %arg6[%dma_wait3A_629, %dma_wait3A_630, %dma_wait3A_631] : memref<8x56x128xf32, #tpu.memory_space<vmem>> -> memref<1x56x128xf32, #tpu.memory_space<vmem>>
      %dma_wait3A_633 = tpu.memref_squeeze %dma_wait3A_632 : memref<1x56x128xf32, #tpu.memory_space<vmem>> -> memref<56x128xf32, #tpu.memory_space<vmem>>
      %dma_wait3A_634 = arith.constant 0 : i32
      %dma_wait3A_635 = tpu.memref_slice %arg5[%rem3A_628, %rem3A_602, %dma_wait3A_634] : memref<2x128x128xi32, #tpu.memory_space<vmem>> -> memref<1x1x56xi32, #tpu.memory_space<vmem>>
      %dma_wait3A_636 = tpu.memref_squeeze %dma_wait3A_635 : memref<1x1x56xi32, #tpu.memory_space<vmem>> -> memref<56xi32, #tpu.memory_space<vmem>>
      %dma_wait3A_637 = arith.constant 0 : i32
      %dma_wait3A_638 = arith.constant 0 : i32
      %dma_wait3A_639 = tpu.memref_slice %arg3[%dma_wait3A_637, %dma_wait3A_638] : memref<1000000x128xf32, #tpu.memory_space<hbm>> -> memref<1000000x128xf32, #tpu.memory_space<hbm>>
      tpu.wait_indirect_dma semaphore(%arg12 : memref<!tpu.dma_semaphore, #tpu.memory_space<semaphore_mem>>) src(%dma_wait3A_639 : memref<1000000x128xf32, #tpu.memory_space<hbm>>) dst(%dma_wait3A_633 : memref<56x128xf32, #tpu.memory_space<vmem>>)
      %mul3A_640 = arith.constant 4 : i32
      %mul3A_641 = arith.muli %add3A_468, %mul3A_640 : i32
      %add3A_642 = arith.constant 1 : i32
      %add3A_643 = arith.addi %mul3A_641, %add3A_642 : i32
      %mul3A_644 = arith.constant 1 : i32
      %mul3A_645 = arith.muli %add3A_643, %mul3A_644 : i32
      %add3A_646 = arith.addi %mul3A_2, %mul3A_645 : i32
      %mul3A_647 = arith.constant 56 : i32
      %mul3A_648 = arith.muli %add3A_646, %mul3A_647 : i32
      %multiple_of3A_649 = tpu.assume_multiple %mul3A_648, 8 : i32
      %dma_start3A_650 = arith.constant 5 : i32
      %dma_start3A_651 = arith.constant 0 : i32
      %dma_start3A_652 = arith.constant 0 : i32
      %dma_start3A_653 = tpu.memref_slice %arg6[%dma_start3A_650, %dma_start3A_651, %dma_start3A_652] : memref<8x56x128xf32, #tpu.memory_space<vmem>> -> memref<1x56x128xf32, #tpu.memory_space<vmem>>
      %dma_start3A_654 = tpu.memref_squeeze %dma_start3A_653 : memref<1x56x128xf32, #tpu.memory_space<vmem>> -> memref<56x128xf32, #tpu.memory_space<vmem>>
      %dma_start3A_655 = arith.constant 0 : i32
      %dma_start3A_656 = tpu.memref_slice %arg4[%multiple_of3A_649, %dma_start3A_655] : memref<917504x128xf32, #tpu.memory_space<hbm>> -> memref<56x128xf32, #tpu.memory_space<hbm>>
      %dma_start3A_657 = arith.constant 0 : i32
      %dma_start3A_658 = tpu.memref_slice %arg4[%multiple_of3A_649, %dma_start3A_657] : memref<917504x128xf32, #tpu.memory_space<hbm>> -> memref<56x128xf32, #tpu.memory_space<hbm>>
      %dma_start3A_659 = arith.constant 0 : i32
      %dma_start3A_660 = arith.constant 0 : i32
      %dma_start3A_661 = tpu.memref_slice %arg6[%dma_start3A_650, %dma_start3A_659, %dma_start3A_660] : memref<8x56x128xf32, #tpu.memory_space<vmem>> -> memref<1x56x128xf32, #tpu.memory_space<vmem>>
      %dma_start3A_662 = tpu.memref_squeeze %dma_start3A_661 : memref<1x56x128xf32, #tpu.memory_space<vmem>> -> memref<56x128xf32, #tpu.memory_space<vmem>>
      tpu.enqueue_dma source(%dma_start3A_662 : memref<56x128xf32, #tpu.memory_space<vmem>>) target(%dma_start3A_658 : memref<56x128xf32, #tpu.memory_space<hbm>>) target_semaphore(%arg20 : memref<!tpu.dma_semaphore, #tpu.memory_space<semaphore_mem>>)
      %mul3A_663 = arith.constant 4 : i32
      %mul3A_664 = arith.muli %add3A_468, %mul3A_663 : i32
      %add3A_665 = arith.constant 2 : i32
      %add3A_666 = arith.addi %mul3A_664, %add3A_665 : i32
      %rem3A_667 = arith.constant 128 : i32
      %rem3A_668 = arith.remsi %add3A_666, %rem3A_667 : i32
      %jit3A_669 = arith.constant 128 : i32
      %div3A_670 = arith.divsi %add3A_666, %jit3A_669 : i32
      %sign3A_671 = arith.constant 0 : i32
      %sign3A_672 = arith.cmpi sgt, %add3A_666, %sign3A_671 : i32
      %sign3A_673 = arith.extui %sign3A_672 : i1 to i32
      %sign3A_674 = arith.constant 0 : i32
      %sign3A_675 = arith.cmpi slt, %add3A_666, %sign3A_674 : i32
      %sign3A_676 = arith.extui %sign3A_675 : i1 to i32
      %sign3A_677 = arith.subi %sign3A_673, %sign3A_676 : i32
      %sign3A_678 = arith.constant 0 : i32
      %sign3A_679 = arith.cmpi sgt, %jit3A_669, %sign3A_678 : i32
      %sign3A_680 = arith.extui %sign3A_679 : i1 to i32
      %sign3A_681 = arith.constant 0 : i32
      %sign3A_682 = arith.cmpi slt, %jit3A_669, %sign3A_681 : i32
      %sign3A_683 = arith.extui %sign3A_682 : i1 to i32
      %sign3A_684 = arith.subi %sign3A_680, %sign3A_683 : i32
      %ne3A_685 = arith.cmpi ne, %sign3A_677, %sign3A_684 : i32
      %rem3A_686 = arith.remsi %add3A_666, %jit3A_669 : i32
      %ne3A_687 = arith.constant 0 : i32
      %ne3A_688 = arith.cmpi ne, %rem3A_686, %ne3A_687 : i32
      %and3A_689 = arith.andi %ne3A_685, %ne3A_688 : i1
      %sub3A_690 = arith.constant 1 : i32
      %sub3A_691 = arith.subi %div3A_670, %sub3A_690 : i32
      %select_n3A_692 = arith.select %and3A_689, %sub3A_691, %div3A_670 : i32
      %rem3A_693 = arith.constant 2 : i32
      %rem3A_694 = arith.remsi %select_n3A_692, %rem3A_693 : i32
      %dma_wait3A_695 = arith.constant 6 : i32
      %dma_wait3A_696 = arith.constant 0 : i32
      %dma_wait3A_697 = arith.constant 0 : i32
      %dma_wait3A_698 = tpu.memref_slice %arg6[%dma_wait3A_695, %dma_wait3A_696, %dma_wait3A_697] : memref<8x56x128xf32, #tpu.memory_space<vmem>> -> memref<1x56x128xf32, #tpu.memory_space<vmem>>
      %dma_wait3A_699 = tpu.memref_squeeze %dma_wait3A_698 : memref<1x56x128xf32, #tpu.memory_space<vmem>> -> memref<56x128xf32, #tpu.memory_space<vmem>>
      %dma_wait3A_700 = arith.constant 0 : i32
      %dma_wait3A_701 = tpu.memref_slice %arg5[%rem3A_694, %rem3A_668, %dma_wait3A_700] : memref<2x128x128xi32, #tpu.memory_space<vmem>> -> memref<1x1x56xi32, #tpu.memory_space<vmem>>
      %dma_wait3A_702 = tpu.memref_squeeze %dma_wait3A_701 : memref<1x1x56xi32, #tpu.memory_space<vmem>> -> memref<56xi32, #tpu.memory_space<vmem>>
      %dma_wait3A_703 = arith.constant 0 : i32
      %dma_wait3A_704 = arith.constant 0 : i32
      %dma_wait3A_705 = tpu.memref_slice %arg3[%dma_wait3A_703, %dma_wait3A_704] : memref<1000000x128xf32, #tpu.memory_space<hbm>> -> memref<1000000x128xf32, #tpu.memory_space<hbm>>
      tpu.wait_indirect_dma semaphore(%arg13 : memref<!tpu.dma_semaphore, #tpu.memory_space<semaphore_mem>>) src(%dma_wait3A_705 : memref<1000000x128xf32, #tpu.memory_space<hbm>>) dst(%dma_wait3A_699 : memref<56x128xf32, #tpu.memory_space<vmem>>)
      %mul3A_706 = arith.constant 4 : i32
      %mul3A_707 = arith.muli %add3A_468, %mul3A_706 : i32
      %add3A_708 = arith.constant 2 : i32
      %add3A_709 = arith.addi %mul3A_707, %add3A_708 : i32
      %mul3A_710 = arith.constant 1 : i32
      %mul3A_711 = arith.muli %add3A_709, %mul3A_710 : i32
      %add3A_712 = arith.addi %mul3A_2, %mul3A_711 : i32
      %mul3A_713 = arith.constant 56 : i32
      %mul3A_714 = arith.muli %add3A_712, %mul3A_713 : i32
      %multiple_of3A_715 = tpu.assume_multiple %mul3A_714, 8 : i32
      %dma_start3A_716 = arith.constant 6 : i32
      %dma_start3A_717 = arith.constant 0 : i32
      %dma_start3A_718 = arith.constant 0 : i32
      %dma_start3A_719 = tpu.memref_slice %arg6[%dma_start3A_716, %dma_start3A_717, %dma_start3A_718] : memref<8x56x128xf32, #tpu.memory_space<vmem>> -> memref<1x56x128xf32, #tpu.memory_space<vmem>>
      %dma_start3A_720 = tpu.memref_squeeze %dma_start3A_719 : memref<1x56x128xf32, #tpu.memory_space<vmem>> -> memref<56x128xf32, #tpu.memory_space<vmem>>
      %dma_start3A_721 = arith.constant 0 : i32
      %dma_start3A_722 = tpu.memref_slice %arg4[%multiple_of3A_715, %dma_start3A_721] : memref<917504x128xf32, #tpu.memory_space<hbm>> -> memref<56x128xf32, #tpu.memory_space<hbm>>
      %dma_start3A_723 = arith.constant 0 : i32
      %dma_start3A_724 = tpu.memref_slice %arg4[%multiple_of3A_715, %dma_start3A_723] : memref<917504x128xf32, #tpu.memory_space<hbm>> -> memref<56x128xf32, #tpu.memory_space<hbm>>
      %dma_start3A_725 = arith.constant 0 : i32
      %dma_start3A_726 = arith.constant 0 : i32
      %dma_start3A_727 = tpu.memref_slice %arg6[%dma_start3A_716, %dma_start3A_725, %dma_start3A_726] : memref<8x56x128xf32, #tpu.memory_space<vmem>> -> memref<1x56x128xf32, #tpu.memory_space<vmem>>
      %dma_start3A_728 = tpu.memref_squeeze %dma_start3A_727 : memref<1x56x128xf32, #tpu.memory_space<vmem>> -> memref<56x128xf32, #tpu.memory_space<vmem>>
      tpu.enqueue_dma source(%dma_start3A_728 : memref<56x128xf32, #tpu.memory_space<vmem>>) target(%dma_start3A_724 : memref<56x128xf32, #tpu.memory_space<hbm>>) target_semaphore(%arg21 : memref<!tpu.dma_semaphore, #tpu.memory_space<semaphore_mem>>)
      %mul3A_729 = arith.constant 4 : i32
      %mul3A_730 = arith.muli %add3A_468, %mul3A_729 : i32
      %add3A_731 = arith.constant 3 : i32
      %add3A_732 = arith.addi %mul3A_730, %add3A_731 : i32
      %rem3A_733 = arith.constant 128 : i32
      %rem3A_734 = arith.remsi %add3A_732, %rem3A_733 : i32
      %jit3A_735 = arith.constant 128 : i32
      %div3A_736 = arith.divsi %add3A_732, %jit3A_735 : i32
      %sign3A_737 = arith.constant 0 : i32
      %sign3A_738 = arith.cmpi sgt, %add3A_732, %sign3A_737 : i32
      %sign3A_739 = arith.extui %sign3A_738 : i1 to i32
      %sign3A_740 = arith.constant 0 : i32
      %sign3A_741 = arith.cmpi slt, %add3A_732, %sign3A_740 : i32
      %sign3A_742 = arith.extui %sign3A_741 : i1 to i32
      %sign3A_743 = arith.subi %sign3A_739, %sign3A_742 : i32
      %sign3A_744 = arith.constant 0 : i32
      %sign3A_745 = arith.cmpi sgt, %jit3A_735, %sign3A_744 : i32
      %sign3A_746 = arith.extui %sign3A_745 : i1 to i32
      %sign3A_747 = arith.constant 0 : i32
      %sign3A_748 = arith.cmpi slt, %jit3A_735, %sign3A_747 : i32
      %sign3A_749 = arith.extui %sign3A_748 : i1 to i32
      %sign3A_750 = arith.subi %sign3A_746, %sign3A_749 : i32
      %ne3A_751 = arith.cmpi ne, %sign3A_743, %sign3A_750 : i32
      %rem3A_752 = arith.remsi %add3A_732, %jit3A_735 : i32
      %ne3A_753 = arith.constant 0 : i32
      %ne3A_754 = arith.cmpi ne, %rem3A_752, %ne3A_753 : i32
      %and3A_755 = arith.andi %ne3A_751, %ne3A_754 : i1
      %sub3A_756 = arith.constant 1 : i32
      %sub3A_757 = arith.subi %div3A_736, %sub3A_756 : i32
      %select_n3A_758 = arith.select %and3A_755, %sub3A_757, %div3A_736 : i32
      %rem3A_759 = arith.constant 2 : i32
      %rem3A_760 = arith.remsi %select_n3A_758, %rem3A_759 : i32
      %dma_wait3A_761 = arith.constant 7 : i32
      %dma_wait3A_762 = arith.constant 0 : i32
      %dma_wait3A_763 = arith.constant 0 : i32
      %dma_wait3A_764 = tpu.memref_slice %arg6[%dma_wait3A_761, %dma_wait3A_762, %dma_wait3A_763] : memref<8x56x128xf32, #tpu.memory_space<vmem>> -> memref<1x56x128xf32, #tpu.memory_space<vmem>>
      %dma_wait3A_765 = tpu.memref_squeeze %dma_wait3A_764 : memref<1x56x128xf32, #tpu.memory_space<vmem>> -> memref<56x128xf32, #tpu.memory_space<vmem>>
      %dma_wait3A_766 = arith.constant 0 : i32
      %dma_wait3A_767 = tpu.memref_slice %arg5[%rem3A_760, %rem3A_734, %dma_wait3A_766] : memref<2x128x128xi32, #tpu.memory_space<vmem>> -> memref<1x1x56xi32, #tpu.memory_space<vmem>>
      %dma_wait3A_768 = tpu.memref_squeeze %dma_wait3A_767 : memref<1x1x56xi32, #tpu.memory_space<vmem>> -> memref<56xi32, #tpu.memory_space<vmem>>
      %dma_wait3A_769 = arith.constant 0 : i32
      %dma_wait3A_770 = arith.constant 0 : i32
      %dma_wait3A_771 = tpu.memref_slice %arg3[%dma_wait3A_769, %dma_wait3A_770] : memref<1000000x128xf32, #tpu.memory_space<hbm>> -> memref<1000000x128xf32, #tpu.memory_space<hbm>>
      tpu.wait_indirect_dma semaphore(%arg14 : memref<!tpu.dma_semaphore, #tpu.memory_space<semaphore_mem>>) src(%dma_wait3A_771 : memref<1000000x128xf32, #tpu.memory_space<hbm>>) dst(%dma_wait3A_765 : memref<56x128xf32, #tpu.memory_space<vmem>>)
      %mul3A_772 = arith.constant 4 : i32
      %mul3A_773 = arith.muli %add3A_468, %mul3A_772 : i32
      %add3A_774 = arith.constant 3 : i32
      %add3A_775 = arith.addi %mul3A_773, %add3A_774 : i32
      %mul3A_776 = arith.constant 1 : i32
      %mul3A_777 = arith.muli %add3A_775, %mul3A_776 : i32
      %add3A_778 = arith.addi %mul3A_2, %mul3A_777 : i32
      %mul3A_779 = arith.constant 56 : i32
      %mul3A_780 = arith.muli %add3A_778, %mul3A_779 : i32
      %multiple_of3A_781 = tpu.assume_multiple %mul3A_780, 8 : i32
      %dma_start3A_782 = arith.constant 7 : i32
      %dma_start3A_783 = arith.constant 0 : i32
      %dma_start3A_784 = arith.constant 0 : i32
      %dma_start3A_785 = tpu.memref_slice %arg6[%dma_start3A_782, %dma_start3A_783, %dma_start3A_784] : memref<8x56x128xf32, #tpu.memory_space<vmem>> -> memref<1x56x128xf32, #tpu.memory_space<vmem>>
      %dma_start3A_786 = tpu.memref_squeeze %dma_start3A_785 : memref<1x56x128xf32, #tpu.memory_space<vmem>> -> memref<56x128xf32, #tpu.memory_space<vmem>>
      %dma_start3A_787 = arith.constant 0 : i32
      %dma_start3A_788 = tpu.memref_slice %arg4[%multiple_of3A_781, %dma_start3A_787] : memref<917504x128xf32, #tpu.memory_space<hbm>> -> memref<56x128xf32, #tpu.memory_space<hbm>>
      %dma_start3A_789 = arith.constant 0 : i32
      %dma_start3A_790 = tpu.memref_slice %arg4[%multiple_of3A_781, %dma_start3A_789] : memref<917504x128xf32, #tpu.memory_space<hbm>> -> memref<56x128xf32, #tpu.memory_space<hbm>>
      %dma_start3A_791 = arith.constant 0 : i32
      %dma_start3A_792 = arith.constant 0 : i32
      %dma_start3A_793 = tpu.memref_slice %arg6[%dma_start3A_782, %dma_start3A_791, %dma_start3A_792] : memref<8x56x128xf32, #tpu.memory_space<vmem>> -> memref<1x56x128xf32, #tpu.memory_space<vmem>>
      %dma_start3A_794 = tpu.memref_squeeze %dma_start3A_793 : memref<1x56x128xf32, #tpu.memory_space<vmem>> -> memref<56x128xf32, #tpu.memory_space<vmem>>
      tpu.enqueue_dma source(%dma_start3A_794 : memref<56x128xf32, #tpu.memory_space<vmem>>) target(%dma_start3A_790 : memref<56x128xf32, #tpu.memory_space<hbm>>) target_semaphore(%arg22 : memref<!tpu.dma_semaphore, #tpu.memory_space<semaphore_mem>>)
    }
    %scan3A_74 = arith.constant 64 : i32
    %add3A_75 = arith.constant 508 : i32
    %add3A_76 = arith.addi %mul3A_2, %add3A_75 : i32
    %mul3A_77 = arith.constant 56 : i32
    %mul3A_78 = arith.muli %add3A_76, %mul3A_77 : i32
    %multiple_of3A_79 = tpu.assume_multiple %mul3A_78, 8 : i32
    %dma_wait3A = arith.constant 4 : i32
    %dma_wait3A_80 = arith.constant 0 : i32
    %dma_wait3A_81 = arith.constant 0 : i32
    %dma_wait3A_82 = tpu.memref_slice %arg6[%dma_wait3A, %dma_wait3A_80, %dma_wait3A_81] : memref<8x56x128xf32, #tpu.memory_space<vmem>> -> memref<1x56x128xf32, #tpu.memory_space<vmem>>
    %dma_wait3A_83 = tpu.memref_squeeze %dma_wait3A_82 : memref<1x56x128xf32, #tpu.memory_space<vmem>> -> memref<56x128xf32, #tpu.memory_space<vmem>>
    %dma_wait3A_84 = arith.constant 0 : i32
    %dma_wait3A_85 = tpu.memref_slice %arg4[%multiple_of3A_79, %dma_wait3A_84] : memref<917504x128xf32, #tpu.memory_space<hbm>> -> memref<56x128xf32, #tpu.memory_space<hbm>>
    %dma_wait3A_86 = arith.constant 0 : i32
    %dma_wait3A_87 = tpu.memref_slice %arg4[%multiple_of3A_79, %dma_wait3A_86] : memref<917504x128xf32, #tpu.memory_space<hbm>> -> memref<56x128xf32, #tpu.memory_space<hbm>>
    %dma_wait3A_88 = arith.constant 0 : i32
    %dma_wait3A_89 = arith.constant 0 : i32
    %dma_wait3A_90 = tpu.memref_slice %arg6[%dma_wait3A, %dma_wait3A_88, %dma_wait3A_89] : memref<8x56x128xf32, #tpu.memory_space<vmem>> -> memref<1x56x128xf32, #tpu.memory_space<vmem>>
    %dma_wait3A_91 = tpu.memref_squeeze %dma_wait3A_90 : memref<1x56x128xf32, #tpu.memory_space<vmem>> -> memref<56x128xf32, #tpu.memory_space<vmem>>
    tpu.wait_dma2 semaphore(%arg19 : memref<!tpu.dma_semaphore, #tpu.memory_space<semaphore_mem>>) src(%dma_wait3A_91 : memref<56x128xf32, #tpu.memory_space<vmem>>) dst(%dma_wait3A_87 : memref<56x128xf32, #tpu.memory_space<hbm>>)
    %add3A_92 = arith.constant 509 : i32
    %add3A_93 = arith.addi %mul3A_2, %add3A_92 : i32
    %mul3A_94 = arith.constant 56 : i32
    %mul3A_95 = arith.muli %add3A_93, %mul3A_94 : i32
    %multiple_of3A_96 = tpu.assume_multiple %mul3A_95, 8 : i32
    %dma_wait3A_97 = arith.constant 5 : i32
    %dma_wait3A_98 = arith.constant 0 : i32
    %dma_wait3A_99 = arith.constant 0 : i32
    %dma_wait3A_100 = tpu.memref_slice %arg6[%dma_wait3A_97, %dma_wait3A_98, %dma_wait3A_99] : memref<8x56x128xf32, #tpu.memory_space<vmem>> -> memref<1x56x128xf32, #tpu.memory_space<vmem>>
    %dma_wait3A_101 = tpu.memref_squeeze %dma_wait3A_100 : memref<1x56x128xf32, #tpu.memory_space<vmem>> -> memref<56x128xf32, #tpu.memory_space<vmem>>
    %dma_wait3A_102 = arith.constant 0 : i32
    %dma_wait3A_103 = tpu.memref_slice %arg4[%multiple_of3A_96, %dma_wait3A_102] : memref<917504x128xf32, #tpu.memory_space<hbm>> -> memref<56x128xf32, #tpu.memory_space<hbm>>
    %dma_wait3A_104 = arith.constant 0 : i32
    %dma_wait3A_105 = tpu.memref_slice %arg4[%multiple_of3A_96, %dma_wait3A_104] : memref<917504x128xf32, #tpu.memory_space<hbm>> -> memref<56x128xf32, #tpu.memory_space<hbm>>
    %dma_wait3A_106 = arith.constant 0 : i32
    %dma_wait3A_107 = arith.constant 0 : i32
    %dma_wait3A_108 = tpu.memref_slice %arg6[%dma_wait3A_97, %dma_wait3A_106, %dma_wait3A_107] : memref<8x56x128xf32, #tpu.memory_space<vmem>> -> memref<1x56x128xf32, #tpu.memory_space<vmem>>
    %dma_wait3A_109 = tpu.memref_squeeze %dma_wait3A_108 : memref<1x56x128xf32, #tpu.memory_space<vmem>> -> memref<56x128xf32, #tpu.memory_space<vmem>>
    tpu.wait_dma2 semaphore(%arg20 : memref<!tpu.dma_semaphore, #tpu.memory_space<semaphore_mem>>) src(%dma_wait3A_109 : memref<56x128xf32, #tpu.memory_space<vmem>>) dst(%dma_wait3A_105 : memref<56x128xf32, #tpu.memory_space<hbm>>)
    %add3A_110 = arith.constant 510 : i32
    %add3A_111 = arith.addi %mul3A_2, %add3A_110 : i32
    %mul3A_112 = arith.constant 56 : i32
    %mul3A_113 = arith.muli %add3A_111, %mul3A_112 : i32
    %multiple_of3A_114 = tpu.assume_multiple %mul3A_113, 8 : i32
    %dma_wait3A_115 = arith.constant 6 : i32
    %dma_wait3A_116 = arith.constant 0 : i32
    %dma_wait3A_117 = arith.constant 0 : i32
    %dma_wait3A_118 = tpu.memref_slice %arg6[%dma_wait3A_115, %dma_wait3A_116, %dma_wait3A_117] : memref<8x56x128xf32, #tpu.memory_space<vmem>> -> memref<1x56x128xf32, #tpu.memory_space<vmem>>
    %dma_wait3A_119 = tpu.memref_squeeze %dma_wait3A_118 : memref<1x56x128xf32, #tpu.memory_space<vmem>> -> memref<56x128xf32, #tpu.memory_space<vmem>>
    %dma_wait3A_120 = arith.constant 0 : i32
    %dma_wait3A_121 = tpu.memref_slice %arg4[%multiple_of3A_114, %dma_wait3A_120] : memref<917504x128xf32, #tpu.memory_space<hbm>> -> memref<56x128xf32, #tpu.memory_space<hbm>>
    %dma_wait3A_122 = arith.constant 0 : i32
    %dma_wait3A_123 = tpu.memref_slice %arg4[%multiple_of3A_114, %dma_wait3A_122] : memref<917504x128xf32, #tpu.memory_space<hbm>> -> memref<56x128xf32, #tpu.memory_space<hbm>>
    %dma_wait3A_124 = arith.constant 0 : i32
    %dma_wait3A_125 = arith.constant 0 : i32
    %dma_wait3A_126 = tpu.memref_slice %arg6[%dma_wait3A_115, %dma_wait3A_124, %dma_wait3A_125] : memref<8x56x128xf32, #tpu.memory_space<vmem>> -> memref<1x56x128xf32, #tpu.memory_space<vmem>>
    %dma_wait3A_127 = tpu.memref_squeeze %dma_wait3A_126 : memref<1x56x128xf32, #tpu.memory_space<vmem>> -> memref<56x128xf32, #tpu.memory_space<vmem>>
    tpu.wait_dma2 semaphore(%arg21 : memref<!tpu.dma_semaphore, #tpu.memory_space<semaphore_mem>>) src(%dma_wait3A_127 : memref<56x128xf32, #tpu.memory_space<vmem>>) dst(%dma_wait3A_123 : memref<56x128xf32, #tpu.memory_space<hbm>>)
    %add3A_128 = arith.constant 511 : i32
    %add3A_129 = arith.addi %mul3A_2, %add3A_128 : i32
    %mul3A_130 = arith.constant 56 : i32
    %mul3A_131 = arith.muli %add3A_129, %mul3A_130 : i32
    %multiple_of3A_132 = tpu.assume_multiple %mul3A_131, 8 : i32
    %dma_wait3A_133 = arith.constant 7 : i32
    %dma_wait3A_134 = arith.constant 0 : i32
    %dma_wait3A_135 = arith.constant 0 : i32
    %dma_wait3A_136 = tpu.memref_slice %arg6[%dma_wait3A_133, %dma_wait3A_134, %dma_wait3A_135] : memref<8x56x128xf32, #tpu.memory_space<vmem>> -> memref<1x56x128xf32, #tpu.memory_space<vmem>>
    %dma_wait3A_137 = tpu.memref_squeeze %dma_wait3A_136 : memref<1x56x128xf32, #tpu.memory_space<vmem>> -> memref<56x128xf32, #tpu.memory_space<vmem>>
    %dma_wait3A_138 = arith.constant 0 : i32
    %dma_wait3A_139 = tpu.memref_slice %arg4[%multiple_of3A_132, %dma_wait3A_138] : memref<917504x128xf32, #tpu.memory_space<hbm>> -> memref<56x128xf32, #tpu.memory_space<hbm>>
    %dma_wait3A_140 = arith.constant 0 : i32
    %dma_wait3A_141 = tpu.memref_slice %arg4[%multiple_of3A_132, %dma_wait3A_140] : memref<917504x128xf32, #tpu.memory_space<hbm>> -> memref<56x128xf32, #tpu.memory_space<hbm>>
    %dma_wait3A_142 = arith.constant 0 : i32
    %dma_wait3A_143 = arith.constant 0 : i32
    %dma_wait3A_144 = tpu.memref_slice %arg6[%dma_wait3A_133, %dma_wait3A_142, %dma_wait3A_143] : memref<8x56x128xf32, #tpu.memory_space<vmem>> -> memref<1x56x128xf32, #tpu.memory_space<vmem>>
    %dma_wait3A_145 = tpu.memref_squeeze %dma_wait3A_144 : memref<1x56x128xf32, #tpu.memory_space<vmem>> -> memref<56x128xf32, #tpu.memory_space<vmem>>
    tpu.wait_dma2 semaphore(%arg22 : memref<!tpu.dma_semaphore, #tpu.memory_space<semaphore_mem>>) src(%dma_wait3A_145 : memref<56x128xf32, #tpu.memory_space<vmem>>) dst(%dma_wait3A_141 : memref<56x128xf32, #tpu.memory_space<hbm>>)
    return
  }
}

</mosaic_0001>

<sc_bundles>
// kernel: kernel.3.cloned.1.call-start
scs
__scs_entry_jumppad:
0x0: {  	(pc) =	sbr.rel $0x88, $3  }
0x1: {  	(tag) =	ssettag $0x0;
	lr =	simm.s32 $0x1  }
0x2: {  	[smem:$0x3F9F] =	sst lr;
	_ =	strace $0xD0000000  }
0x3: {  	_ = 	snop  }
0x4: {  	_ = 	snop  }
0x5: {  	_ = 	snop  }
0x6: {  	_ = 	snop  }
0x7: {  	_ = 	snop  }
__scs_overlays_trampoline_lowered:
0x8: {  	[smem:$0x3FAE] =	sst s0  }
0x9: {  	[smem:$0x3FAF] =	sst s1  }
0xa: {  	[smem:$0x3FB0] =	sst s2  }
0xb: {  	[smem:$0x3FB1] =	sst s3  }
0xc: {  	[smem:$0x3FB2] =	sst s4  }
0xd: {  	[smem:$0x3FB3] =	sst s5  }
0xe: {  	[smem:$0x3FB4] =	sst s6  }
0xf: {  	[smem:$0x3FB5] =	sst s7  }
0x10: {  	[smem:$0x3FB6] =	sst s8  }
0x11: {  	[smem:$0x3FB7] =	sst s9;
	s0 =	simm.s32 @!p0 $0x0  }
0x12: {  	s1 =	sld [smem:$0x3F9D];
	s0 =	simm.s32 @p0 $0x1  }
0x13: {  	[smem:$0x3FB8] =	sst s0;
	s0 =	simm.s32 @!p1 $0x0  }
0x14: {  	s2 =	sld [smem:$0x3F9C];
	s0 =	simm.s32 @p1 $0x1  }
0x15: {  	[smem:$0x3FB9] =	sst s0;
	s0 =	simm.s32 @!p2 $0x0  }
0x16: {  	s3 =	sld [smem:$0x3FDB];
	s0 =	simm.s32 @p2 $0x1  }
0x17: {  	s4 =	simm.s32 $0x1BF5;
	[smem:$0x3FBB] =	sst s0  }
0x18: {  	s0 =	sld [smem:$0x3F9E];
	_ =	swait.ge [sflag:s4], $0x0  }
0x19: {  	s7 =	sld [smem:$0x3F9F]  }
0x1a: {  	s8 =	sadd.s32 $0xFFFFE003, lr  }
0x1b: {  	s9 =	sadd.s32 $0xFFFFFEF7, lr;
	s5 =	simm.s32 $0xFFFFFFFF;
	p2 =	slt.u32 s8, $0xFFFFF086  }
0x1c: {  	p1 =	slt.u32 s9, $0xF7A;
	s5 =	simm.s32 @!p2 $0x0  }
0x1d: {  	s5 =	simm.s32 @p1 $0x1;
	p0 =	seq.s32 s7, s2  }
0x1e: {  	s7 =	smul.u32 @!p0 $0xF7A, s2;
	p2 =	seq.s32 @!p0 s5, $0x0  }
0x1f: {  	s9 =	smul.u32 $0xF7A, s1;
	s8 =	simm.s32 @!p0 $0x1BF5;
	p2 =	por !p2, p0  }
0x20: {  	[sflag:s8] =	ssyncset.s32 @!p0 $0xFFFFF086;
	s6 =	sadd.s32 @!p0 s3, s7;
	s7 =	simm.s32 @!p0 $0x108  }
0x21: {  	s3 =	sadd.s32 s3, s9;
	s6 =	sadd.s32 @!p0 $0x88, s6;
	s7 =	simm.s32 @p2 $0x1082  }
0x22: {  	[simem:s7], [sflag:s8] =	dma.local @!p0 [hbm:s6], $0xF7A  }
0x23: {  	s9 =	sor.u32 $0xD0000000, s2;
	s6 =	simm.s32 $0x108;
	_ =	swait.ge @!p0 [sflag:s8], $0x0  }
0x24: {  	s3 =	sadd.s32 $0x88, s3;
	s6 =	simm.s32 @!p1 $0x1082;
	[sflag:s4] =	ssyncset.s32 $0xFFFFF086  }
0x25: {  	[simem:s6], [sflag:s4] =	dma.local [hbm:s3], $0xF7A  }
0x26: {  	[smem:$0x3F9F] =	sst s1;
	(tag) =	ssettag s2;
	_ =	strace s9  }
0x27: {  	s1 =	sld [smem:$0x3FAF]  }
0x28: {  	s2 =	sld [smem:$0x3FB0]  }
0x29: {  	s4 =	sld [smem:$0x3FB2]  }
0x2a: {  	p0 =	seq.s32 s5, $0x0;
	s5 =	sld [smem:$0x3FB3]  }
0x2b: {  	s6 =	sld [smem:$0x3FB4]  }
0x2c: {  	s7 =	sld [smem:$0x3FB5]  }
0x2d: {  	s3 =	simm.s32 $0x108;
	s8 =	sld [smem:$0x3FB6]  }
0x2e: {  	s3 =	simm.s32 @!p0 $0x1082;
	s9 =	sld [smem:$0x3FB7]  }
0x2f: {  	lr =	sadd.s32 s0, s3;
	s0 =	sld [smem:$0x3FAE]  }
0x30: {  	s3 =	sld [smem:$0x3FB1]  }
0x31: {  	[smem:$0x3FBA] =	sst s10  }
0x32: {  	s10 =	sld [smem:$0x3FB8];
	_ =	sdelay $0x3  }
0x33: {  	p0 =	seq.s32 s10, $0x1;
	s10 =	sld [smem:$0x3FBA];
	_ =	sdelay $0x3  }
0x34: {  	[smem:$0x3FBA] =	sst s10  }
0x35: {  	s10 =	sld [smem:$0x3FB9];
	_ =	sdelay $0x3  }
0x36: {  	p1 =	seq.s32 s10, $0x1;
	s10 =	sld [smem:$0x3FBA];
	_ =	sdelay $0x3  }
0x37: {  	[smem:$0x3FBA] =	sst s10  }
0x38: {  	s10 =	sld [smem:$0x3FBB]  }
0x39: {  	_ = 	snop;
	(pc) =	sbr.ind lr, $3  }
0x3a: {  	_ = 	snop  }
0x3b: {  	_ = 	snop  }
0x3c: {  	p2 =	seq.s32 s10, $0x1;
	s10 =	sld [smem:$0x3FBA]  }
0x3d: {  	_ =	shalt  }
0x3e: {  	_ =	shalt  }
0x3f: {  	_ =	shalt  }
0x40: {  	_ =	shalt  }
0x41: {  	_ =	shalt  }
0x42: {  	_ =	shalt  }
0x43: {  	_ =	shalt  }
0x44: {  	_ =	shalt  }
0x45: {  	_ =	shalt  }
0x46: {  	_ =	shalt  }
0x47: {  	_ =	shalt  }
0x48: {  	_ =	shalt  }
0x49: {  	_ =	shalt  }
0x4a: {  	_ =	shalt  }
0x4b: {  	_ =	shalt  }
0x4c: {  	_ =	shalt  }
0x4d: {  	_ =	shalt  }
0x4e: {  	_ =	shalt  }
0x4f: {  	_ =	shalt  }
0x50: {  	_ =	shalt  }
0x51: {  	_ =	shalt  }
0x52: {  	_ =	shalt  }
0x53: {  	_ =	shalt  }
0x54: {  	_ =	shalt  }
0x55: {  	_ =	shalt  }
0x56: {  	_ =	shalt  }
0x57: {  	_ =	shalt  }
0x58: {  	_ =	shalt  }
0x59: {  	_ =	shalt  }
0x5a: {  	_ =	shalt  }
0x5b: {  	_ =	shalt  }
0x5c: {  	_ =	shalt  }
0x5d: {  	_ =	shalt  }
0x5e: {  	_ =	shalt  }
0x5f: {  	_ =	shalt  }
0x60: {  	_ =	shalt  }
0x61: {  	_ =	shalt  }
0x62: {  	_ =	shalt  }
0x63: {  	_ =	shalt  }
0x64: {  	_ =	shalt  }
0x65: {  	_ =	shalt  }
0x66: {  	_ =	shalt  }
0x67: {  	_ =	shalt  }
0x68: {  	_ =	shalt  }
0x69: {  	_ =	shalt  }
0x6a: {  	_ =	shalt  }
0x6b: {  	_ =	shalt  }
0x6c: {  	_ =	shalt  }
0x6d: {  	_ =	shalt  }
0x6e: {  	_ =	shalt  }
0x6f: {  	_ =	shalt  }
0x70: {  	_ =	shalt  }
0x71: {  	_ =	shalt  }
0x72: {  	_ =	shalt  }
0x73: {  	_ =	shalt  }
0x74: {  	_ =	shalt  }
0x75: {  	_ =	shalt  }
0x76: {  	_ =	shalt  }
0x77: {  	_ =	shalt  }
0x78: {  	_ =	shalt  }
0x79: {  	_ =	shalt  }
0x7a: {  	_ =	shalt  }
0x7b: {  	_ =	shalt  }
0x7c: {  	_ =	shalt  }
0x7d: {  	_ =	shalt  }
0x7e: {  	_ =	shalt  }
0x7f: {  	_ =	shalt  }
0x80: {  	_ =	shalt  }
0x81: {  	_ =	shalt  }
0x82: {  	_ =	shalt  }
0x83: {  	_ =	shalt  }
0x84: {  	_ =	shalt  }
0x85: {  	_ =	shalt  }
0x86: {  	_ =	shalt  }
0x87: {  	_ =	shalt  }
.Lfunc_end0:
.L_simem_size_0:
called_computation.1_lowered:
.L_overlay_start_0:
0x88: {  	s2 =	sld [smem:$0x3FD9]  }
0x89: {  	s3 =	sld [smem:$0x3FFE];
	_ =	sdelay $0x1  }
0x8a: {  	s1 =	srdreg.scid  }
0x8b: {  	s0 =	sand.u32 $0x1, s1  }
0x8c: {  	s17 =	sshll.u32 s0, $0xA;
	s2 =	sadd.s32 s3, s2  }
0x8d: {  	s2 =	sadd.s32 s2, s17  }
0x8e: {  	[smem:$0x3FC6] =	sst s2  }
0x8f: {  	_ = 	snop  }
0x90: {  	s2 =	sld [smem:$0x3FD0];
	(tm) =	ssettm $0x1  }
0x91: {  	s18 =	sld [smem:$0x3FFB];
	_ =	sdelay $0x3  }
0x92: {  	_ =	strace s18  }
0x93: {  	s3 =	sld [smem:$0x3FFC];
	_ =	sdelay $0x3  }
0x94: {  	_ =	strace s3  }
0x95: {  	s3 =	sld [smem:$0x3FFD];
	_ =	sdelay $0x3  }
0x96: {  	_ =	strace s3  }
0x97: {  	_ =	strace $0x8FFFFFFF  }
0x98: {  	s19 =	sld [smem:$0x3FDB];
	_ =	sdelay $0x1  }
0x99: {  	s4 =	simm.s32 $_scs_section_size  }
0x9a: {  	s5 =	simm.s32 $_size__tile_overlayer_lowered;
	s6 =	simm.s32 $_tile_overlayer_lowered  }
0x9b: {  	s22 =	simm.s32 $0x1BFF;
	s21 =	sshll.u32 s6, $0x1;
	s3 =	sadd.s32 s4, s19  }
0x9c: {  	s7 =	simm.s32 $0x0;
	s20 =	sshll.u32 s5, $0x1;
	s5 =	sadd.s32 s21, s3  }
0x9d: {  	[timem:s7], [sflag:s22] =	dma.local [hbm:s5], s20  }
0x9e: {  	_ =	swait.ge [sflag:s22], s20  }
0x9f: {  	s4 =	ssub.s32 $0x0, s20;
	[sflag:s22] =	ssyncset.done $0x0  }
0xa0: {  	[sflag:s22] =	ssyncadd.s32 s4;
	_ =	sdelay $0x1  }
0xa1: {  	s23 =	simm.s32 $0x1B8B  }
0xa2: {  	_ =	swait.ge [sflag:s23], $0x1  }
0xa3: {  	[sflag:s23] =	ssyncset.done $0x0  }
0xa4: {  	s25 =	simm.s32 $0x1B8E;
	s24 =	sld [smem:$0x3FFE];
	[sflag:s23] =	ssyncadd.s32 $0xFFFFFFFF  }
0xa5: {  	s26 =	simm.s32 $execute0_lowered;
	[smem:$0x3FD2] =	sst s25  }
0xa6: {  	s5 =	sshll.u32 s26, $0x1;
	_ =	strace $0x80000046;
	[dreg:$0x1] =	wrdreg $0xFFFFFFFF  }
0xa7: {  	s28 =	simm.s32 $_size_execute0_lowered;
	s3 =	sadd.s32 s3, s5;
	[dreg:$0x0] =	wrdreg $0x0  }
0xa8: {  	s5 =	sshll.u32 s28, $0x1;
	[dreg:$0x2] =	wrdreg s3  }
0xa9: {  	[dreg:$0x3] =	wrdreg s5  }
0xaa: {  	[dreg:$0x4] =	wrdreg $0xC0  }
0xab: {  	_ =	task [dreg:s7], $0x5FFFF  }
0xac: {  	[dreg:$0x1] =	wrdreg $0xFFFFFFFF  }
0xad: {  	[dreg:$0x0] =	wrdreg $0x60  }
0xae: {  	[dreg:$0x2] =	wrdreg s2  }
0xaf: {  	[dreg:$0x3] =	wrdreg s24  }
0xb0: {  	[dreg:$0x4] =	wrdreg $0x9  }
0xb1: {  	_ =	task.clear_ibuf [dreg:s7], $0x5FFFF;
	_ =	strace $0x90000046  }
0xb2: {  	s29 =	simm.s32 $0x9;
	_ =	strace $0x80000048  }
0xb3: {  	_ =	swait.ge [sflag:s29], $0x1  }
0xb4: {  	[sflag:s29] =	ssyncadd.s32 $0xFFFFFFFF  }
0xb5: {  	_ =	strace $0x90000048  }
0xb6: {  	_ =	sfence  }
0xb7: {  	s30 =	sld [smem:$0x0];
	_ =	sdelay $0x2  }
0xb8: {  	s31 =	sshll.u32 s1, $0xD;
	s1 =	sshrl.u32 s1, $0x2  }
0xb9: {  	s3 =	sand.u32 $0x4000, s31;
	s1 =	sadd.s32 s1, s30  }
0xba: {  	s0 =	sor.u32 s3, s0;
	s1 =	sshll.u32 s1, $0x11  }
0xbb: {  	s0 =	sor.u32 s1, s0  }
0xbc: {  	s0 =	sadd.s32 $0x8F2B, s0  }
0xbd: {  	[sflag:s0] =	ssyncadd.remote.s32 $0x1  }
0xbe: {  	_ =	sfence.sel $0xFFFF  }
0xbf: {  	[dreg:$0x0] =	wrdreg $0xFFFFFFFF;
	(pc) =	sbr.abs _section_cstart, $3  }
0xc0: {  	[dreg:$0x1] =	wrdreg $0xFFFFFFFF  }
0xc1: {  	_ =	task.clear_ibuf [dreg:s7], $0x2FFFF;
	_ =	strace $0x9FFFFFFF  }
0xc2: {  	(tm) =	ssettm $0x7FFFFFFF  }
0xc3: {  	_ =	shalt  }
tec
execute0_lowered:
.L_overlay_start_1:
0x0: {  	(tag) =	ssettag $0x1  }
0x1: {  	s0 =	rddreg [dreg:$0x0]  }
0x2: {  	s1 =	rddreg [dreg:$0x1]  }
0x3: {  	s2 =	simm.s32 $0x0;
	s7 =	stileid.u32;
	s3 =	srdreg.scid  }
0x4: {  	s9 =	simm.s32 $0x38;
	s10 =	simm.s32 $0x8000;
	s12 =	simm.s32 $0x9C00  }
0x5: {  	s14 =	simm.s32 $0xB800;
	s16 =	simm.s32 $0xD400;
	s17 =	simm.s32 $0x14400  }
0x6: {  	s18 =	simm.s32 $0x1;
	s19 =	simm.s32 $0x2;
	s20 =	simm.s32 $0x3  }
0x7: {  	s21 =	simm.s32 $0x4;
	s22 =	simm.s32 $0x9;
	s23 =	simm.s32 $0xA  }
0x8: {  	s29 =	simm.s32 $0x6;
	s31 =	simm.s32 $0x7;
	[smem:$0x7FF] =	sst s2  }
0x9: {  	s4 =	smul.u32 $0xE0000, s7;
	s5 =	sand.u32 $0x1, s3;
	s3 =	sadd.s32 $0xF43E00, s1  }
0xa: {  	s7 =	sshll.u32 s7, $0xE;
	_ =	strace $0x80000047;
	s6 =	ssub.s32 $0x2, s5  }
0xb: {  	s8 =	sshll.u32 s5, $0xD;
	s5 =	smul.u32 $0x70000, s5;
	s1 =	sadd.s32 s4, s1  }
0xc: {  	s24 =	sshrl.u32 s6, $0x1;
	s25 =	sor.u32 s8, s7;
	s7 =	sadd.s32 s7, s0  }
0xd: {  	s4 =	ssub.s32 s6, s24;
	s0 =	sadd.s32 s0, s25;
	s26 =	sadd.s32 s5, s1  }
.Ltmp0:
0xe: {  	s28 =	sadd.s32 s8, s7;
	s8 =	simm.s32 $0x11;
	(pc) =	sbr.rel .LBB2_1-.Ltmp0, $4  }
0xf: {  	s24 =	simm.s32 $0xB;
	s25 =	simm.s32 $0xC;
	s1 =	simm.s32 $0x8  }
0x10: {  	s7 =	simm.s32 $0x0;
	[dreg:$0x3] =	wrdreg s0;
	s4 =	smax.u32 s4, $0x1  }
0x11: {  	s6 =	sadd.s32 $0x1000, s26;
	s30 =	sadd.s32 $0x80, s28;
	[dreg:$0x4] =	wrdreg s4  }
0x12: {  	s26 =	simm.s32 $0x5;
	s0 =	simm.s32 $0x12800;
	[dreg:$0x5] =	wrdreg s30  }
.LBB2_9:
0x13: {  	s4 =	simm.s32 $0xD  }
0x14: {  	_ =	swait.ge [sflag:s4], $0x1C00  }
0x15: {  	[sflag:s4] =	ssyncset.done $0x0  }
0x16: {  	s15 =	simm.s32 $0xE;
	[sflag:s4] =	ssyncadd.s32 $0xFFFFE400  }
0x17: {  	_ =	swait.ge [sflag:s15], $0x1C00  }
0x18: {  	[sflag:s15] =	ssyncset.done $0x0  }
0x19: {  	s28 =	simm.s32 $0xF;
	[sflag:s15] =	ssyncadd.s32 $0xFFFFE400  }
0x1a: {  	_ =	swait.ge [sflag:s28], $0x1C00  }
0x1b: {  	[sflag:s28] =	ssyncset.done $0x0  }
0x1c: {  	s5 =	simm.s32 $0x10;
	[sflag:s28] =	ssyncadd.s32 $0xFFFFE400  }
0x1d: {  	_ =	swait.ge [sflag:s5], $0x1C00  }
0x1e: {  	s7 =	rddreg [dreg:$0x6]  }
0x1f: {  	s30 =	rddreg [dreg:$0x4];
	s7 =	sadd.s32 $0x1, s7  }
0x20: {  	p0 =	sne.s32 s7, s30  }
.Ltmp1:
0x21: {  	_ = 	snop;
	(pc) =	sbr.rel @!p0 .LBB2_10-.Ltmp1, $3  }
0x22: {  	_ =	sdelay $0x1  }
0x23: {  	[sflag:s5] =	ssyncset.done $0x0  }
0x24: {  	[sflag:s5] =	ssyncadd.s32 $0xFFFFE400  }
.LBB2_1:
0x25: {  	[dreg:$0x6] =	wrdreg s7  }
0x26: {  	s4 =	rddreg [dreg:$0x3]  }
0x27: {  	[tilespmem:s2], [sflag:$0x11] =	stream.linear.gather [hbm4b:s4+s2], $0x4000, $0x38;
	[tilespmem:$0x16000] =	vst v63  }
0x28: {  	_ =	swait.ge [sflag:s8], $0x4000  }
0x29: {  	[sflag:s8] =	ssyncset.done $0x0  }
0x2a: {  	[sflag:s8] =	ssyncadd.s32 $0xFFFFC000  }
0x2b: {  	[tilespmem:s10], [sflag:$0x1] =	stream.indirect.gather [hbm4b:s3+s9], $0x80, s2, s9, $0xb8;
	[tilespmem:$0x16000] =	vst v63  }
0x2c: {  	s15 =	simm.s32 $0x80  }
0x2d: {  	[tilespmem:s12], [sflag:$0x2] =	stream.indirect.gather [hbm4b:s3+s9], $0x80, s15, s9, $0xb8;
	[tilespmem:$0x16000] =	vst v63  }
.Ltmp2:
0x2e: {  	_ = 	snop;
	(pc) =	sbr.rel .LBB2_2-.Ltmp2, $4  }
0x2f: {  	s28 =	simm.s32 $0x100;
	s30 =	simm.s32 $0x180;
	s7 =	simm.s32 $0x2  }
0x30: {  	[tilespmem:s14], [sflag:$0x3] =	stream.indirect.gather [hbm4b:s3+s9], $0x80, s28, s9, $0xb8;
	[tilespmem:$0x16000] =	vst v63  }
0x31: {  	s13 =	simm.s32 $0x0;
	s11 =	rddreg [dreg:$0x5];
	s15 =	simm.s32 $0x0  }
0x32: {  	[tilespmem:s16], [sflag:$0x4] =	stream.indirect.gather [hbm4b:s3+s9], $0x80, s30, s9, $0xb8;
	[tilespmem:$0x16000] =	vst v63  }
.LBB2_7:
0x33: {  	_ =	swait.ge [sflag:s23], $0x1C00  }
0x34: {  	[sflag:s23] =	ssyncset.done $0x0  }
0x35: {  	[sflag:s23] =	ssyncadd.s32 $0xFFFFE400  }
0x36: {  	_ =	swait.ge [sflag:s24], $0x1C00  }
0x37: {  	[sflag:s24] =	ssyncset.done $0x0  }
0x38: {  	[sflag:s24] =	ssyncadd.s32 $0xFFFFE400  }
0x39: {  	_ =	swait.ge [sflag:s25], $0x1C00  }
0x3a: {  	[sflag:s25] =	ssyncset.done $0x0  }
0x3b: {  	[sflag:s25] =	ssyncadd.s32 $0xFFFFE400  }
.LBB2_8:
0x3c: {  	_ =	swait.ge [sflag:s26], $0x1C00  }
0x3d: {  	[sflag:s26] =	ssyncset.done $0x0  }
0x3e: {  	s5 =	sadd.s32 $0xE00, s4;
	s28 =	simm.s32 $0xF000;
	[sflag:s26] =	ssyncadd.s32 $0xFFFFE400  }
0x3f: {  	[hbm4b:s5+s2] =	stream.linear.scatter [tilespmem:s28], [sflag:$0xD], $0x1C00, $0x38;
	[tilespmem:$0x16000] =	vst v63  }
0x40: {  	_ =	swait.ge [sflag:s29], $0x1C00  }
0x41: {  	[sflag:s29] =	ssyncset.done $0x0  }
0x42: {  	s30 =	simm.s32 $0x10C00;
	s5 =	sadd.s32 $0x1180, s4;
	[sflag:s29] =	ssyncadd.s32 $0xFFFFE400  }
0x43: {  	[hbm4b:s5+s2] =	stream.linear.scatter [tilespmem:s30], [sflag:$0xE], $0x1C00, $0x38;
	[tilespmem:$0x16000] =	vst v63  }
0x44: {  	_ =	swait.ge [sflag:s31], $0x1C00  }
0x45: {  	s13 =	sadd.s32 $0x1C00, s13;
	[sflag:s31] =	ssyncset.done $0x0  }
0x46: {  	p0 =	sne.s32 s13, $0x70000;
	s28 =	sadd.s32 $0x1500, s4;
	[sflag:s31] =	ssyncadd.s32 $0xFFFFE400  }
0x47: {  	[hbm4b:s28+s2] =	stream.linear.scatter [tilespmem:s0], [sflag:$0xF], $0x1C00, $0x38;
	[tilespmem:$0x16000] =	vst v63  }
.Ltmp3:
0x48: {  	_ = 	snop;
	(pc) =	sbr.rel @!p0 .LBB2_9-.Ltmp3, $4  }
0x49: {  	_ =	swait.ge [sflag:s1], $0x1C00  }
0x4a: {  	s15 =	sadd.s32 $0x1000, s15;
	s11 =	sadd.s32 $0x80, s11;
	[sflag:s1] =	ssyncset.done $0x0  }
0x4b: {  	s7 =	sadd.s32 $0x2, s7;
	s30 =	sadd.s32 $0x1880, s4;
	[sflag:s1] =	ssyncadd.s32 $0xFFFFE400  }
0x4c: {  	[hbm4b:s30+s2] =	stream.linear.scatter [tilespmem:s17], [sflag:$0x10], $0x1C00, $0x38;
	[tilespmem:$0x16000] =	vst v63  }
.LBB2_2:
0x4d: {  	p0 =	seq.s32 s13, $0x0  }
0x4e: {  	s4 =	simm.s32 @p0 $0x38;
	s5 =	simm.s32 @p0 $0x200;
	s28 =	simm.s32 @p0 $0xF000  }
0x4f: {  	[tilespmem:s28], [sflag:$0x5] =	stream.indirect.gather @p0 [hbm4b:s3+s4], $0x80, s5, s4, $0xb8;
	[tilespmem:$0x16000] =	vst v63  }
0x50: {  	s5 =	simm.s32 @p0 $0x280;
	s28 =	simm.s32 @p0 $0x10C00  }
0x51: {  	[tilespmem:s28], [sflag:$0x6] =	stream.indirect.gather @p0 [hbm4b:s3+s4], $0x80, s5, s4, $0xb8;
	[tilespmem:$0x16000] =	vst v63  }
0x52: {  	s5 =	simm.s32 @p0 $0x300;
	s28 =	simm.s32 @p0 $0x12800  }
0x53: {  	[tilespmem:s28], [sflag:$0x7] =	stream.indirect.gather @p0 [hbm4b:s3+s4], $0x80, s5, s4, $0xb8;
	[tilespmem:$0x16000] =	vst v63  }
0x54: {  	s4 =	simm.s32 @!p0 $0xD  }
0x55: {  	s5 =	sadd.s32 @!p0 $0x800, s15;
	_ =	swait.ge @!p0 [sflag:s4], $0x1C00  }
0x56: {  	s28 =	sand.u32 @!p0 $0x10000, s15;
	s5 =	sand.u32 @!p0 $0xF800, s5;
	[sflag:s4] =	ssyncset.done @!p0 $0x0  }
0x57: {  	[sflag:s4] =	ssyncadd.s32 @!p0 $0xFFFFE400;
	s4 =	sor.u32 @!p0 s5, s28  }
0x58: {  	s5 =	simm.s32 @!p0 $0x38;
	s28 =	simm.s32 @!p0 $0xF000;
	s4 =	sshrl.u32 @!p0 s4, $0x2  }
0x59: {  	[tilespmem:s28], [sflag:$0x5] =	stream.indirect.gather @!p0 [hbm4b:s3+s5], $0x80, s4, s5, $0xb8;
	[tilespmem:$0x16000] =	vst v63  }
0x5a: {  	s28 =	simm.s32 @!p0 $0xE  }
0x5b: {  	_ =	swait.ge @!p0 [sflag:s28], $0x1C00  }
0x5c: {  	[sflag:s28] =	ssyncset.done @!p0 $0x0  }
0x5d: {  	s30 =	simm.s32 @!p0 $0x10C00;
	[sflag:s28] =	ssyncadd.s32 @!p0 $0xFFFFE400;
	s28 =	sor.u32 @!p0 $0x80, s4  }
0x5e: {  	[tilespmem:s30], [sflag:$0x6] =	stream.indirect.gather @!p0 [hbm4b:s3+s5], $0x80, s28, s5, $0xb8;
	[tilespmem:$0x16000] =	vst v63  }
0x5f: {  	s28 =	simm.s32 @!p0 $0xF  }
0x60: {  	_ =	swait.ge @!p0 [sflag:s28], $0x1C00  }
0x61: {  	[sflag:s28] =	ssyncset.done @!p0 $0x0  }
0x62: {  	s30 =	simm.s32 @!p0 $0x12800;
	[sflag:s28] =	ssyncadd.s32 @!p0 $0xFFFFE400;
	s28 =	sor.u32 @!p0 $0x100, s4  }
0x63: {  	[tilespmem:s30], [sflag:$0x7] =	stream.indirect.gather @!p0 [hbm4b:s3+s5], $0x80, s28, s5, $0xb8;
	[tilespmem:$0x16000] =	vst v63  }
0x64: {  	s5 =	simm.s32 @!p0 $0x10  }
0x65: {  	_ =	swait.ge @!p0 [sflag:s5], $0x1C00  }
0x66: {  	s4 =	simm.s32 @p0 $0x200;
	[sflag:s5] =	ssyncset.done @!p0 $0x0  }
0x67: {  	s4 =	sadd.s32 $0x180, s4;
	[sflag:s5] =	ssyncadd.s32 @!p0 $0xFFFFE400  }
0x68: {  	[tilespmem:s17], [sflag:$0x8] =	stream.indirect.gather [hbm4b:s3+s9], $0x80, s4, s9, $0xb8;
	[tilespmem:$0x16000] =	vst v63  }
0x69: {  	_ =	swait.ge [sflag:s18], $0x1C00  }
0x6a: {  	[sflag:s18] =	ssyncset.done $0x0  }
0x6b: {  	s4 =	sadd.s32 s13, s6;
	[sflag:s18] =	ssyncadd.s32 $0xFFFFE400  }
0x6c: {  	[hbm4b:s4+s2] =	stream.linear.scatter [tilespmem:s10], [sflag:$0x9], $0x1C00, $0x38;
	[tilespmem:$0x16000] =	vst v63  }
0x6d: {  	_ =	swait.ge [sflag:s19], $0x1C00  }
0x6e: {  	[sflag:s19] =	ssyncset.done $0x0  }
0x6f: {  	s30 =	sadd.s32 $0x380, s4;
	[sflag:s19] =	ssyncadd.s32 $0xFFFFE400  }
0x70: {  	[hbm4b:s30+s2] =	stream.linear.scatter [tilespmem:s12], [sflag:$0xA], $0x1C00, $0x38;
	[tilespmem:$0x16000] =	vst v63  }
0x71: {  	s5 =	sand.u32 $0x1E, s7;
	p0 =	seq.s32 s13, $0x6E400;
	_ =	swait.ge [sflag:s20], $0x1C00  }
0x72: {  	p1 =	sne.s32 @!p0 s5, $0x0;
	[sflag:s20] =	ssyncset.done $0x0  }
0x73: {  	s28 =	sadd.s32 $0x700, s4;
	p1 =	por p0, p1;
	[sflag:s20] =	ssyncadd.s32 $0xFFFFE400  }
0x74: {  	[hbm4b:s28+s2] =	stream.linear.scatter [tilespmem:s14], [sflag:$0xB], $0x1C00, $0x38;
	[tilespmem:$0x16000] =	vst v63  }
.Ltmp4:
0x75: {  	_ = 	snop;
	(pc) =	sbr.rel @p1 .LBB2_4-.Ltmp4, $4  }
0x76: {  	_ =	swait.ge [sflag:s21], $0x1C00  }
0x77: {  	[sflag:s21] =	ssyncset.done $0x0  }
0x78: {  	s30 =	sadd.s32 $0xA80, s4;
	[sflag:s21] =	ssyncadd.s32 $0xFFFFE400  }
0x79: {  	[hbm4b:s30+s2] =	stream.linear.scatter [tilespmem:s16], [sflag:$0xC], $0x1C00, $0x38;
	[tilespmem:$0x16000] =	vst v63  }
0x7a: {  	s5 =	sadd.s32 $0x1000, s15  }
0x7b: {  	s5 =	sand.u32 $0x10000, s5  }
0x7c: {  	s28 =	sshrl.u32 s5, $0x2  }
0x7d: {  	[tilespmem:s28], [sflag:$0x11] =	stream.linear.gather [hbm4b:s11+s2], $0x4000, $0x38;
	[tilespmem:$0x16000] =	vst v63  }
0x7e: {  	_ =	swait.ge [sflag:s8], $0x4000  }
0x7f: {  	[sflag:s8] =	ssyncset.done $0x0  }
0x80: {  	[sflag:s8] =	ssyncadd.s32 $0xFFFFC000  }
0x81: {  	_ =	swait.ge [sflag:s22], $0x1C00  }
0x82: {  	[sflag:s22] =	ssyncset.done $0x0  }
0x83: {  	[sflag:s22] =	ssyncadd.s32 $0xFFFFE400  }
.LBB2_6:
0x84: {  	s28 =	sadd.s32 $0x1000, s15  }
0x85: {  	s28 =	sand.u32 $0xF000, s28  }
0x86: {  	s5 =	sshrl.u32 s5, $0x2;
	s28 =	sshrl.u32 s28, $0x2  }
0x87: {  	s5 =	sadd.s32 s28, s5  }
0x88: {  	[tilespmem:s10], [sflag:$0x1] =	stream.indirect.gather [hbm4b:s3+s9], $0x80, s5, s9, $0xb8;
	[tilespmem:$0x16000] =	vst v63  }
0x89: {  	_ =	swait.ge [sflag:s23], $0x1C00  }
0x8a: {  	[sflag:s23] =	ssyncset.done $0x0  }
0x8b: {  	s28 =	sadd.s32 $0x80, s5;
	[sflag:s23] =	ssyncadd.s32 $0xFFFFE400  }
0x8c: {  	[tilespmem:s12], [sflag:$0x2] =	stream.indirect.gather [hbm4b:s3+s9], $0x80, s28, s9, $0xb8;
	[tilespmem:$0x16000] =	vst v63  }
0x8d: {  	_ =	swait.ge [sflag:s24], $0x1C00  }
0x8e: {  	[sflag:s24] =	ssyncset.done $0x0  }
0x8f: {  	s30 =	sadd.s32 $0x100, s5;
	[sflag:s24] =	ssyncadd.s32 $0xFFFFE400  }
0x90: {  	[tilespmem:s14], [sflag:$0x3] =	stream.indirect.gather [hbm4b:s3+s9], $0x80, s30, s9, $0xb8;
	[tilespmem:$0x16000] =	vst v63  }
.Ltmp5:
0x91: {  	_ = 	snop;
	(pc) =	sbr.rel .LBB2_8-.Ltmp5, $4  }
0x92: {  	_ =	swait.ge [sflag:s25], $0x1C00  }
0x93: {  	[sflag:s25] =	ssyncset.done $0x0  }
0x94: {  	s5 =	sadd.s32 $0x180, s5;
	[sflag:s25] =	ssyncadd.s32 $0xFFFFE400  }
0x95: {  	[tilespmem:s16], [sflag:$0x4] =	stream.indirect.gather [hbm4b:s3+s9], $0x80, s5, s9, $0xb8;
	[tilespmem:$0x16000] =	vst v63  }
.LBB2_4:
.Ltmp6:
0x96: {  	(pc) =	sbr.rel @p0 .LBB2_7-.Ltmp6, $4  }
0x97: {  	_ = 	snop  }
0x98: {  	_ =	swait.ge [sflag:s22], $0x1C00  }
0x99: {  	[sflag:s22] =	ssyncset.done $0x0  }
0x9a: {  	[sflag:s22] =	ssyncadd.s32 $0xFFFFE400  }
.Ltmp7:
0x9b: {  	(pc) =	sbr.rel .LBB2_6-.Ltmp7, $3  }
0x9c: {  	_ =	sdelay $0x1  }
0x9d: {  	s5 =	sadd.s32 $0x1000, s15  }
0x9e: {  	s5 =	sand.u32 $0x10000, s5  }
.LBB2_10:
0x9f: {  	_ =	sfence.sel $0x180000  }
0xa0: {  	[bflag:$0x0] =	sbarrier.arrive $0xFFFF  }
0xa1: {  	_ =	strace $0x90000047  }
0xa2: {  	s0 =	stileid.u32;
	[bflag:$0x2] =	sbarrier.arrive $0xFFFF  }
0xa3: {  	p0 =	sne.s32 s0, $0x0;
	s0 =	rddreg [dreg:$0x2]  }
0xa4: {  	s0 =	sadd.s32 @!p0 $0x100000, s0  }
0xa5: {  	[sflag:s0] =	ssyncadd.tile.s32 @!p0 $0x1;
	_ =	shalt  }
.Lfunc_end2:
_tile_overlayer_lowered:
.L_overlay_start_2:
0xa6: {  	(tag) =	ssettag $0x2  }
0xa7: {  	s0 =	rddreg [dreg:$0x0];
	s2 =	stileid.u32  }
0xa8: {  	s1 =	rddreg [dreg:$0x1];
	p0 =	sne.s32 s2, $0x0  }
0xa9: {  	s3 =	rddreg [dreg:$0x2];
	[bflag:$0x3] =	sbarrier.arrive $0xFFFF;
	s2 =	simm.s32 @!p0 $0x1C11  }
0xaa: {  	[timem:s3], [sflag:s2] =	dma.local @!p0 [hbm:s0], s1  }
0xab: {  	s0 =	simm.s32 @!p0 $0x11  }
0xac: {  	_ =	swait.ge @!p0 [sflag:s0], s1  }
0xad: {  	s1 =	ssub.s32 @!p0 $0x0, s1;
	[sflag:s0] =	ssyncset.done @!p0 $0x0  }
0xae: {  	[sflag:s0] =	ssyncadd.s32 @!p0 s1  }
0xaf: {  	[bflag:$0x3] =	sbarrier.arrive $0xFFFF  }
0xb0: {  	_ =	shalt  }

// kernel: sparse-core-data-format-call.cloned.1.call-start
scs
called_computation_lowered:
.L_overlay_start_0:
0x0: {  	s2 =	sld [smem:$0x3FD9]  }
0x1: {  	s3 =	sld [smem:$0x3FFE];
	_ =	sdelay $0x1  }
0x2: {  	s1 =	srdreg.scid  }
0x3: {  	s0 =	sand.u32 $0x1, s1  }
0x4: {  	s18 =	sshll.u32 s0, $0xA;
	s2 =	sadd.s32 s3, s2  }
0x5: {  	s2 =	sadd.s32 s2, s18  }
0x6: {  	[smem:$0x3FC6] =	sst s2  }
0x7: {  	_ = 	snop  }
0x8: {  	s2 =	sld [smem:$0x3FD0];
	(tm) =	ssettm $0x1  }
0x9: {  	s19 =	sld [smem:$0x3FFB];
	_ =	sdelay $0x3  }
0xa: {  	_ =	strace s19  }
0xb: {  	s3 =	sld [smem:$0x3FFC];
	_ =	sdelay $0x3  }
0xc: {  	_ =	strace s3  }
0xd: {  	s3 =	sld [smem:$0x3FFD];
	_ =	sdelay $0x3  }
0xe: {  	_ =	strace s3  }
0xf: {  	_ =	strace $0x8FFFFFFF  }
0x10: {  	s20 =	sld [smem:$0x3FDB];
	_ =	sdelay $0x1  }
0x11: {  	s4 =	simm.s32 $_scs_section_size  }
0x12: {  	s5 =	simm.s32 $_size__tile_overlayer_lowered;
	s6 =	simm.s32 $_tile_overlayer_lowered  }
0x13: {  	s23 =	simm.s32 $0x1BFF;
	s22 =	sshll.u32 s6, $0x1;
	s3 =	sadd.s32 s4, s20  }
0x14: {  	s7 =	simm.s32 $0x0;
	s21 =	sshll.u32 s5, $0x1;
	s5 =	sadd.s32 s22, s3  }
0x15: {  	[timem:s7], [sflag:s23] =	dma.local [hbm:s5], s21  }
0x16: {  	_ =	swait.ge [sflag:s23], s21  }
0x17: {  	s4 =	ssub.s32 $0x0, s21;
	[sflag:s23] =	ssyncset.done $0x0  }
0x18: {  	[sflag:s23] =	ssyncadd.s32 s4;
	_ =	sdelay $0x1  }
0x19: {  	s24 =	simm.s32 $0x1B8B  }
0x1a: {  	_ =	swait.ge [sflag:s24], $0x1  }
0x1b: {  	[sflag:s24] =	ssyncset.done $0x0  }
0x1c: {  	s26 =	simm.s32 $0x1B8E;
	s25 =	sld [smem:$0x3FFE];
	[sflag:s24] =	ssyncadd.s32 $0xFFFFFFFF  }
0x1d: {  	s27 =	simm.s32 $execute0_lowered;
	[smem:$0x3FD2] =	sst s26  }
0x1e: {  	s5 =	sshll.u32 s27, $0x1;
	_ =	strace $0x80000049;
	[dreg:$0x1] =	wrdreg $0xFFFFFFFF  }
0x1f: {  	s28 =	simm.s32 $_size_execute0_lowered;
	s3 =	sadd.s32 s3, s5;
	[dreg:$0x0] =	wrdreg $0x0  }
0x20: {  	s5 =	sshll.u32 s28, $0x1;
	[dreg:$0x2] =	wrdreg s3  }
0x21: {  	[dreg:$0x3] =	wrdreg s5  }
0x22: {  	[dreg:$0x4] =	wrdreg $0xC0  }
0x23: {  	_ =	task [dreg:s7], $0x5FFFF  }
0x24: {  	[dreg:$0x1] =	wrdreg $0xFFFFFFFF  }
0x25: {  	[dreg:$0x0] =	wrdreg $0x60  }
0x26: {  	[dreg:$0x2] =	wrdreg s25  }
0x27: {  	[dreg:$0x3] =	wrdreg s2  }
0x28: {  	[dreg:$0x4] =	wrdreg $0x9  }
0x29: {  	_ =	task.clear_ibuf [dreg:s7], $0x5FFFF;
	_ =	strace $0x90000049  }
0x2a: {  	s29 =	simm.s32 $0x9;
	_ =	strace $0x8000004B  }
0x2b: {  	_ =	swait.ge [sflag:s29], $0x1  }
0x2c: {  	[sflag:s29] =	ssyncadd.s32 $0xFFFFFFFF  }
0x2d: {  	_ =	strace $0x9000004B  }
0x2e: {  	_ =	sfence  }
0x2f: {  	s30 =	sld [smem:$0x0];
	_ =	sdelay $0x2  }
0x30: {  	s31 =	sshll.u32 s1, $0xD;
	s1 =	sshrl.u32 s1, $0x2  }
0x31: {  	s3 =	sand.u32 $0x4000, s31;
	s1 =	sadd.s32 s1, s30  }
0x32: {  	s0 =	sor.u32 s3, s0;
	s1 =	sshll.u32 s1, $0x11  }
0x33: {  	s0 =	sor.u32 s1, s0  }
0x34: {  	s0 =	sadd.s32 $0x8F2B, s0  }
0x35: {  	[sflag:s0] =	ssyncadd.remote.s32 $0x1  }
0x36: {  	_ =	sfence.sel $0xFFFF  }
0x37: {  	[dreg:$0x0] =	wrdreg $0xFFFFFFFF;
	(pc) =	sbr.abs _section_cstart, $3  }
0x38: {  	[dreg:$0x1] =	wrdreg $0xFFFFFFFF  }
0x39: {  	_ =	task.clear_ibuf [dreg:s7], $0x2FFFF;
	_ =	strace $0x9FFFFFFF  }
0x3a: {  	(tm) =	ssettm $0x7FFFFFFF  }
0x3b: {  	_ =	shalt  }
tec
execute0_lowered:
.L_overlay_start_1:
0x0: {  	(tag) =	ssettag $0x1  }
0x1: {  	s0 =	srdreg.scid  }
0x2: {  	s1 =	sshll.u32 s0, $0x4  }
0x3: {  	s0 =	stileid.u32;
	s1 =	sand.u32 $0x10, s1  }
0x4: {  	s1 =	sor.u32 s0, s1  }
0x5: {  	s6 =	rddreg [dreg:$0x0];
	s4 =	simm.s32 $0x1;
	s2 =	sshll.u32 s1, $0x7  }
0x6: {  	s7 =	simm.s32 $0x2;
	s12 =	simm.s32 $0x0;
	s1 =	ssub.s32 $0x4000, s2  }
0x7: {  	s8 =	simm.s32 $0x20000;
	s13 =	simm.s32 $0x0;
	s3 =	sand.u32 $0xF80, s1  }
0x8: {  	s9 =	simm.s32 $0x0;
	s5 =	sshrl.u32 s1, $0xC;
	p0 =	sne.s32 s3, $0x0  }
.Ltmp0:
0x9: {  	s1 =	rddreg [dreg:$0x2];
	s4 =	simm.s32 @!p0 $0x0;
	(pc) =	sbr.rel .LBB1_1-.Ltmp0, $4  }
0xa: {  	s11 =	simm.s32 $0x0;
	s3 =	rddreg [dreg:$0x1];
	s5 =	sadd.s32 s4, s5  }
0xb: {  	_ =	strace $0x8000004A;
	s4 =	simm.s32 $0x1;
	s5 =	smul.u32 $0x32, s5  }
0xc: {  	s6 =	sadd.s32 $0x1000, s6;
	s10 =	smov.u32 s2;
	[sflag:s4] =	ssyncpa.u1 $0x0  }
0xd: {  	p0 =	por $0x0, $0x0;
	[sflag:s7] =	ssyncpa.u1 $0x0;
	s7 =	sor.u32 $0x1, s5  }
.LBB1_4:
0xe: {  	s16 =	sshll.u32 s13, $0x3;
	s17 =	sand.u32 $0x78, s13  }
0xf: {  	s30 =	sand.u32 $0x1F800, s13;
	s12 =	sshll.u32 s12, $0x11;
	s16 =	sand.u32 $0x3C00, s16  }
0x10: {  	[tilespmem:s15+$0x810 ss:$0x81] =	vst.msk $0xffff, v2;
	s31 =	sand.u32 $0x7, s13;
	s16 =	sor.u32 s17, s16;
	s17 =	sadd.s32 s3, s30  }
0x11: {  	[tilespmem:s15+$0x1020 ss:$0x81] =	vst.msk $0xffff, v0;
	s13 =	sshll.u32 s31, $0x12;
	s12 =	sadd.s32 s12, s17;
	s16 =	sshrl.u32 s16, $0x3  }
0x12: {  	[tilespmem:s15+$0x0 ss:$0x81] =	vst.msk $0xffff, v1;
	s13 =	sor.u32 $0x400, s13;
	s12 =	sadd.s32 s16, s12  }
0x13: {  	[hbm4b:s12+s13] =	stream.strided.scatter [tilespmem:s14], [sflag:$0x2], $0x2000, s8, s13, $0x20;
	[tilespmem:$0x8080] =	vst v63  }
.LBB1_5:
0x14: {  	s14 =	sadd.s32 $0x1, s9  }
0x15: {  	s12 =	sadd.s32 $0x1000, s10;
	s16 =	smov.u32 s10;
	p2 =	sgt.s32 s14, $0x31  }
0x16: {  	s16 =	smov.u32 @p2 s12  }
0x17: {  	s14 =	simm.s32 @p2 $0x0;
	p2 =	sgt.s32 s16, $0x3FFF  }
0x18: {  	s16 =	smov.u32 @p2 s2;
	p2 =	sne.s32 s11, s7  }
.Ltmp1:
0x19: {  	p1 =	slt.u32 s11, $0x2;
	(pc) =	sbr.rel @!p2 .LBB1_6-.Ltmp1, $4  }
0x1a: {  	s15 =	simm.s32 @!p1 $0x2  }
0x1b: {  	s13 =	smov.u32 s10;
	p0 =	por !p0, !p0;
	_ =	swait.ge @!p1 [sflag:s15], $0x2000  }
0x1c: {  	s12 =	smov.u32 s9;
	[sflag:s15] =	ssyncset.done @!p1 $0x0;
	s9 =	smov.u32 s14  }
0x1d: {  	s11 =	sadd.s32 $0x1, s11;
	[sflag:s15] =	ssyncadd.s32 @!p1 $0xFFFFE000;
	s10 =	smov.u32 s16  }
.LBB1_1:
0x1e: {  	p1 =	sge.u32 s11, s5  }
0x1f: {  	s14 =	sand.u32 @!p1 $0x1FFFFFF, s9  }
0x20: {  	s15 =	smulhi.u32 @!p1 $0x4924925, s14;
	_ =	sdelay $0x1  }
0x21: {  	s15 =	smul.u32 @!p1 $0x38, s15  }
0x22: {  	s16 =	sxor.u32 @!p1 $0xFFFFFFFF, s11;
	s17 =	smul.u32 @!p1 $0x380, s10  }
0x23: {  	s31 =	sadd.s32 $0xFFFFFFFF, s11;
	s16 =	sshll.u32 @!p1 s16, $0xD;
	s14 =	ssub.s32 @!p1 s14, s15  }
0x24: {  	s15 =	sand.u32 @!p1 $0x2000, s16;
	s16 =	sadd.s32 @!p1 s6, s17;
	s14 =	sshll.u32 @!p1 s14, $0x4  }
0x25: {  	s17 =	simm.s32 @!p1 $0x1C00;
	s14 =	sadd.s32 @!p1 s14, s16;
	s16 =	simm.s32 @!p1 $0x40  }
0x26: {  	[tilespmem:s15], [sflag:$0x1] =	stream.strided.gather @!p1 [hbm4b:s14+s16], $0x2000, s17, s16, $0x38;
	[tilespmem:$0x8080] =	vst v63  }
0x27: {  	p1 =	sge.u32 s31, s5  }
.Ltmp2:
0x28: {  	_ = 	snop;
	(pc) =	sbr.rel @p1 .LBB1_5-.Ltmp2, $1  }
0x29: {  	_ =	sdelay $0x3  }
0x2a: {  	s14 =	simm.s32 $0x1  }
0x2b: {  	_ =	swait.ge [sflag:s4], $0x2000;
	s14 =	simm.s32 @!p0 $0x0  }
0x2c: {  	[sflag:s4] =	ssyncset.done $0x0;
	s15 =	sshll.u32 s14, $0xD  }
0x2d: {  	[sflag:s4] =	ssyncadd.s32 $0xFFFFE000;
	s18 =	sor.u32 $0x20, s15  }
0x2e: {  	s14 =	smul.u32 $0x8100, s14;
	v3 =	vld [tilespmem:s18+$0x10]  }
0x2f: {  	s30 =	sand.u32 $0x1, s11;
	v2 =	vld [tilespmem:s18+$0xFFFFFFF0]  }
0x30: {  	s15 =	smul.u32 $0x8100, s30;
	s14 =	sshrl.u32 s14, $0x2;
	v0 =	vld [tilespmem:s18+$0x0]  }
0x31: {  	v1 =	vld [tilespmem:s18+$0xFFFFFFE0];
	s16 =	sor.u32 $0x4000, s14  }
0x32: {  	s31 =	sshrl.u32 s15, $0x2;
	s15 =	sadd.s32 $0x0, s16  }
0x33: {  	s17 =	simm.s32 $0x4;
	s18 =	sadd.s32 $0x40, s18;
	s14 =	sor.u32 $0x4000, s31;
	[tilespmem:s15+$0x1830 ss:$0x81] =	vst.msk $0xffff, v3  }
.LBB1_3:
0x34: {  	v3 =	vld [tilespmem:s18+$0x10];
	p1 =	sne.s32 s17, $0x1FC;
	[tilespmem:s15+$0x810 ss:$0x81] =	vst.msk $0xffff, v2;
	s19 =	smov.u32 s17;
	s17 =	sadd.s32 $0x4, s17  }
.Ltmp3:
0x35: {  	v2 =	vld [tilespmem:s18+$0xFFFFFFF0];
	[tilespmem:s15+$0x1020 ss:$0x81] =	vst.msk $0xffff, v0;
	(pc) =	sbr.rel @p1 .LBB1_3-.Ltmp3, $4  }
0x36: {  	v0 =	vld [tilespmem:s18+$0x0];
	[tilespmem:s15+$0x0 ss:$0x81] =	vst.msk $0xffff, v1  }
0x37: {  	s15 =	sshra.s32 s19, $0x2;
	v1 =	vld [tilespmem:s18+$0xFFFFFFE0]  }
0x38: {  	s15 =	sadd.s32 s15, s16  }
0x39: {  	s18 =	sadd.s32 $0x40, s18;
	[tilespmem:s15+$0x1830 ss:$0x81] =	vst.msk $0xffff, v3  }
.Ltmp4:
0x3a: {  	_ = 	snop;
	(pc) =	sbr.rel .LBB1_4-.Ltmp4, $1  }
0x3b: {  	_ =	sdelay $0x3  }
.LBB1_6:
0x3c: {  	_ =	sfence.sel $0x180000  }
0x3d: {  	s2 =	simm.s32 $0x1;
	[bflag:$0x0] =	sbarrier.arrive $0xFFFF  }
0x3e: {  	s31 =	simm.s32 $0x2;
	[sflag:s2] =	ssyncpa.u1 $0x1  }
0x3f: {  	[sflag:s31] =	ssyncpa.u1 $0x1  }
0x40: {  	p0 =	sne.s32 s0, $0x0;
	_ =	strace $0x9000004A  }
0x41: {  	s0 =	sadd.s32 @!p0 $0x100000, s1;
	[bflag:$0x2] =	sbarrier.arrive $0xFFFF  }
0x42: {  	[sflag:s0] =	ssyncadd.tile.s32 @!p0 $0x1;
	_ =	shalt  }
.Lfunc_end1:
_tile_overlayer_lowered:
.L_overlay_start_2:
0x43: {  	(tag) =	ssettag $0x2  }
0x44: {  	s0 =	rddreg [dreg:$0x0];
	s2 =	stileid.u32  }
0x45: {  	s1 =	rddreg [dreg:$0x1];
	p0 =	sne.s32 s2, $0x0  }
0x46: {  	s3 =	rddreg [dreg:$0x2];
	[bflag:$0x3] =	sbarrier.arrive $0xFFFF;
	s2 =	simm.s32 @!p0 $0x1C01  }
0x47: {  	[timem:s3], [sflag:s2] =	dma.local @!p0 [hbm:s0], s1  }
0x48: {  	s0 =	simm.s32 @!p0 $0x1  }
0x49: {  	_ =	swait.ge @!p0 [sflag:s0], s1  }
0x4a: {  	s1 =	ssub.s32 @!p0 $0x0, s1;
	[sflag:s0] =	ssyncset.done @!p0 $0x0  }
0x4b: {  	[sflag:s0] =	ssyncadd.s32 @!p0 s1  }
0x4c: {  	[bflag:$0x3] =	sbarrier.arrive $0xFFFF  }
0x4d: {  	_ =	shalt  }

</sc_bundles>
